<compile_context>
chip_gen: v7x
topology: tpu7x:2x2x1
jax: 0.10.2.dev20260603
libtpu: 0.0.44.dev20260713+nightly
codegen_flags: <defaults>
</compile_context>

<pallas_src>
import functools

import jax
import jax.numpy as jnp
from jax import lax
from jax.experimental import pallas as pl
from jax.experimental.pallas import tpu as pltpu
from jax.experimental.pallas import tpu_sc as plsc

VOCAB = 100000
N_INDEX = 26
EMBED_DIM = 32
BATCH = 16384

CHUNK = 4096
NCHUNK = BATCH // CHUNK
UNROLL = 16


@functools.lru_cache(maxsize=1)
def _build():
    info = plsc.get_sparse_core_info()
    nc, ns, nl = info.num_cores, info.num_subcores, info.num_lanes
    mesh = plsc.VectorSubcoreMesh(core_axis_name="c", subcore_axis_name="s")

    @functools.partial(
        pl.kernel,
        mesh=mesh,
        out_type=jax.ShapeDtypeStruct((N_INDEX, EMBED_DIM, BATCH),
                                      jnp.float32),
        compiler_params=pltpu.CompilerParams(needs_layout_passes=False),
        scratch_types=[
            pltpu.VMEM((VOCAB,), jnp.float32),
            pltpu.VMEM((CHUNK,), jnp.int32),
            pltpu.VMEM((CHUNK,), jnp.int32),
            pltpu.VMEM((CHUNK,), jnp.float32),
            pltpu.VMEM((CHUNK,), jnp.float32),
            pltpu.SemaphoreType.DMA,
            pltpu.SemaphoreType.DMA,
            pltpu.SemaphoreType.DMA,
        ],
    )
    def embed_kernel(ids_hbm, tab_hbm, out_hbm,
                     row_v, ids_a, ids_b, out_a, out_b,
                     row_sem, ids_sem, out_sem):
        d = lax.axis_index("s") * nc + lax.axis_index("c")
        ids_bufs = (ids_a, ids_b)
        out_bufs = (out_a, out_b)

        def fire_row(i):
            pltpu.async_copy(tab_hbm.at[i, d, :], row_v, row_sem)

        def wait_row():
            pltpu.make_async_copy(tab_hbm.at[0, 0, :], row_v, row_sem).wait()

        fire_row(0)
        pltpu.async_copy(ids_hbm.at[0, pl.ds(0, CHUNK)], ids_a, ids_sem)

        def table_body(i, carry):
            wait_row()
            for cc in range(NCHUNK):
                ids_v = ids_bufs[cc % 2]
                out_v = out_bufs[cc % 2]
                pltpu.make_async_copy(
                    ids_hbm.at[0, pl.ds(0, CHUNK)], ids_v, ids_sem).wait()
                if cc < NCHUNK - 1:
                    pltpu.async_copy(
                        ids_hbm.at[i, pl.ds((cc + 1) * CHUNK, CHUNK)],
                        ids_bufs[(cc + 1) % 2], ids_sem)
                else:
                    @pl.when(i < N_INDEX - 1)
                    def _():
                        pltpu.async_copy(
                            ids_hbm.at[i + 1, pl.ds(0, CHUNK)],
                            ids_bufs[0], ids_sem)
                @pl.when(jnp.logical_or(i > 0, cc >= 2))
                def _():
                    pltpu.make_async_copy(
                        out_v, out_hbm.at[0, d, pl.ds(0, CHUNK)],
                        out_sem).wait()

                def gather_body(k, carry2):
                    base = k * (nl * UNROLL)
                    idxs = [ids_v[pl.ds(base + u * nl, nl)]
                            for u in range(UNROLL)]
                    vals = [plsc.load_gather(row_v, [idxs[u]])
                            for u in range(UNROLL)]
                    for u in range(UNROLL):
                        out_v[pl.ds(base + u * nl, nl)] = vals[u]
                    return carry2

                lax.fori_loop(0, CHUNK // (nl * UNROLL), gather_body, 0)
                pltpu.async_copy(
                    out_v, out_hbm.at[i, d, pl.ds(cc * CHUNK, CHUNK)],
                    out_sem)
            @pl.when(i < N_INDEX - 1)
            def _():
                fire_row(i + 1)
            return carry

        lax.fori_loop(0, N_INDEX, table_body, 0)
        for b in range(2):
            pltpu.make_async_copy(
                out_bufs[b], out_hbm.at[0, d, pl.ds(0, CHUNK)],
                out_sem).wait()

    return embed_kernel


def kernel(input_ids, tables):
    embed_kernel = _build()
    ids_t = input_ids.T
    tab_t = jnp.transpose(tables, (0, 2, 1))
    out_t = embed_kernel(ids_t, tab_t)
    return jnp.transpose(out_t, (2, 0, 1))

# --- scband reference (transcript-rebuilt; emitter-appended) ---
"""Pipeline reference for scband-index-embed-4655744549083 (READ-ONLY COPY).

The authoritative reference and input builder live on the scoring server;
editing this copy changes nothing except your own understanding.
"""

import jax, jax.numpy as jnp
import numpy as np

VOCAB = 100000
N_INDEX = 26
EMBED_DIM = 32
BATCH = 16384
INIT_RANGE = 0.02


def setup_inputs(seed: int = 0) -> dict:
    key = jax.random.key(seed)
    k_idx, k_tab = jax.random.split(key)
    input_ids = jax.random.randint(k_idx, (BATCH, N_INDEX), 0, VOCAB, dtype=jnp.int32)
    # One embedding table per index field, stacked: [n_index, vocab, embed_dim]
    tables = jax.random.normal(k_tab, (N_INDEX, VOCAB, EMBED_DIM), dtype=jnp.float32) * INIT_RANGE
    return {"input_ids": input_ids, "tables": tables}


def reference(input_ids, tables):
    # Faithful translation of IndexEmbed.__call__:
    # each column i of input_ids is looked up in its own table,
    # each lookup yields [B, 1, D]; results concatenated along axis 1 -> [B, n_index, D]
    op = []
    batch_size, n_dims = input_ids.shape
    for i in range(n_dims):
        op.append(jnp.take(tables[i], input_ids[:, i:i + 1], axis=0))
    op = jnp.concatenate(op, axis=1)
    return op

if __name__ == "__main__":
    import jax
    _d = setup_inputs()
    print(jax.jit(kernel)(*tuple(_d.values())))

</pallas_src>

<mosaic_0001>
#map = affine_map<(d0, d1) -> (0, 0)>
#map1 = affine_map<(d0, d1) -> (0, 0, 0)>
module attributes {stable_mosaic.version = 14 : i64} {
  func.func @embed_kernel(%arg0: i32, %arg1: i32, %arg2: memref<26x16384xi32, #tpu.memory_space<hbm>>, %arg3: memref<26x32x100000xf32, #tpu.memory_space<hbm>>, %arg4: memref<26x32x16384xf32, #tpu.memory_space<hbm>>, %arg5: memref<100000xf32, #tpu.memory_space<vmem>>, %arg6: memref<4096xi32, #tpu.memory_space<vmem>>, %arg7: memref<4096xi32, #tpu.memory_space<vmem>>, %arg8: memref<4096xf32, #tpu.memory_space<vmem>>, %arg9: memref<4096xf32, #tpu.memory_space<vmem>>, %arg10: memref<!tpu.dma_semaphore, #tpu.memory_space<semaphore_mem>>, %arg11: memref<!tpu.dma_semaphore, #tpu.memory_space<semaphore_mem>>, %arg12: memref<!tpu.dma_semaphore, #tpu.memory_space<semaphore_mem>>) attributes {dimension_semantics = [#tpu.dimension_semantics<core_parallel>, #tpu.dimension_semantics<subcore_parallel>], iteration_bounds = array<i64: 2, 16>, scalar_prefetch = 0 : i64, scratch_operands = 8 : i64, tpu.core_type = #tpu.core_type<sc_vector_subcore>, window_params = [{transform_indices = #map}, {transform_indices = #map1}, {transform_indices = #map1}]} {
    %mul3A = arith.constant 2 : i32
    %mul3A_0 = arith.muli %arg1, %mul3A : i32
    %add3A = arith.addi %mul3A_0, %arg0 : i32
    %dma_start3A = arith.constant 0 : i32
    %dma_start3A_1 = arith.constant 0 : i32
    %dma_start3A_2 = tpu.memref_slice %arg3[%dma_start3A, %add3A, %dma_start3A_1] : memref<26x32x100000xf32, #tpu.memory_space<hbm>> -> memref<1x1x100000xf32, #tpu.memory_space<hbm>>
    %dma_start3A_3 = tpu.memref_squeeze %dma_start3A_2 : memref<1x1x100000xf32, #tpu.memory_space<hbm>> -> memref<100000xf32, #tpu.memory_space<hbm>>
    %dma_start3A_4 = arith.constant 0 : i32
    %dma_start3A_5 = tpu.memref_slice %arg3[%dma_start3A, %add3A, %dma_start3A_4] : memref<26x32x100000xf32, #tpu.memory_space<hbm>> -> memref<1x1x100000xf32, #tpu.memory_space<hbm>>
    %dma_start3A_6 = tpu.memref_squeeze %dma_start3A_5 : memref<1x1x100000xf32, #tpu.memory_space<hbm>> -> memref<100000xf32, #tpu.memory_space<hbm>>
    tpu.enqueue_dma source(%dma_start3A_6 : memref<100000xf32, #tpu.memory_space<hbm>>) target(%arg5 : memref<100000xf32, #tpu.memory_space<vmem>>) target_semaphore(%arg10 : memref<!tpu.dma_semaphore, #tpu.memory_space<semaphore_mem>>)
    %dma_start3A_7 = arith.constant 0 : i32
    %dma_start3A_8 = arith.constant 0 : i32
    %dma_start3A_9 = tpu.memref_slice %arg2[%dma_start3A_7, %dma_start3A_8] : memref<26x16384xi32, #tpu.memory_space<hbm>> -> memref<1x4096xi32, #tpu.memory_space<hbm>>
    %dma_start3A_10 = tpu.memref_squeeze %dma_start3A_9 : memref<1x4096xi32, #tpu.memory_space<hbm>> -> memref<4096xi32, #tpu.memory_space<hbm>>
    %dma_start3A_11 = arith.constant 0 : i32
    %dma_start3A_12 = tpu.memref_slice %arg2[%dma_start3A_7, %dma_start3A_11] : memref<26x16384xi32, #tpu.memory_space<hbm>> -> memref<1x4096xi32, #tpu.memory_space<hbm>>
    %dma_start3A_13 = tpu.memref_squeeze %dma_start3A_12 : memref<1x4096xi32, #tpu.memory_space<hbm>> -> memref<4096xi32, #tpu.memory_space<hbm>>
    tpu.enqueue_dma source(%dma_start3A_13 : memref<4096xi32, #tpu.memory_space<hbm>>) target(%arg6 : memref<4096xi32, #tpu.memory_space<vmem>>) target_semaphore(%arg11 : memref<!tpu.dma_semaphore, #tpu.memory_space<semaphore_mem>>)
    %scan3A = arith.constant 0 : i32
    %scan3A_14 = arith.constant 0 : i32
    %scan3A_15 = arith.constant 26 : i32
    %scan3A_16 = arith.addi %scan3A_14, %scan3A_15 : i32
    %scan3A_17 = arith.constant 1 : i32
    scf.for %scan3A_32 = %scan3A_14 to %scan3A_16 step %scan3A_17  : i32 {
      %dma_wait3A_33 = arith.constant 0 : i32
      %dma_wait3A_34 = arith.constant 0 : i32
      %dma_wait3A_35 = arith.constant 0 : i32
      %dma_wait3A_36 = tpu.memref_slice %arg3[%dma_wait3A_33, %dma_wait3A_34, %dma_wait3A_35] : memref<26x32x100000xf32, #tpu.memory_space<hbm>> -> memref<1x1x100000xf32, #tpu.memory_space<hbm>>
      %dma_wait3A_37 = tpu.memref_squeeze %dma_wait3A_36 : memref<1x1x100000xf32, #tpu.memory_space<hbm>> -> memref<100000xf32, #tpu.memory_space<hbm>>
      %dma_wait3A_38 = arith.constant 0 : i32
      %dma_wait3A_39 = tpu.memref_slice %arg3[%dma_wait3A_33, %dma_wait3A_34, %dma_wait3A_38] : memref<26x32x100000xf32, #tpu.memory_space<hbm>> -> memref<1x1x100000xf32, #tpu.memory_space<hbm>>
      %dma_wait3A_40 = tpu.memref_squeeze %dma_wait3A_39 : memref<1x1x100000xf32, #tpu.memory_space<hbm>> -> memref<100000xf32, #tpu.memory_space<hbm>>
      tpu.wait_dma2 semaphore(%arg10 : memref<!tpu.dma_semaphore, #tpu.memory_space<semaphore_mem>>) src(%dma_wait3A_40 : memref<100000xf32, #tpu.memory_space<hbm>>) dst(%arg5 : memref<100000xf32, #tpu.memory_space<vmem>>)
      %dma_wait3A_41 = arith.constant 0 : i32
      %dma_wait3A_42 = arith.constant 0 : i32
      %dma_wait3A_43 = tpu.memref_slice %arg2[%dma_wait3A_41, %dma_wait3A_42] : memref<26x16384xi32, #tpu.memory_space<hbm>> -> memref<1x4096xi32, #tpu.memory_space<hbm>>
      %dma_wait3A_44 = tpu.memref_squeeze %dma_wait3A_43 : memref<1x4096xi32, #tpu.memory_space<hbm>> -> memref<4096xi32, #tpu.memory_space<hbm>>
      %dma_wait3A_45 = arith.constant 0 : i32
      %dma_wait3A_46 = tpu.memref_slice %arg2[%dma_wait3A_41, %dma_wait3A_45] : memref<26x16384xi32, #tpu.memory_space<hbm>> -> memref<1x4096xi32, #tpu.memory_space<hbm>>
      %dma_wait3A_47 = tpu.memref_squeeze %dma_wait3A_46 : memref<1x4096xi32, #tpu.memory_space<hbm>> -> memref<4096xi32, #tpu.memory_space<hbm>>
      tpu.wait_dma2 semaphore(%arg11 : memref<!tpu.dma_semaphore, #tpu.memory_space<semaphore_mem>>) src(%dma_wait3A_47 : memref<4096xi32, #tpu.memory_space<hbm>>) dst(%arg6 : memref<4096xi32, #tpu.memory_space<vmem>>)
      %dma_start3A_48 = arith.constant 4096 : i32
      %dma_start3A_49 = tpu.memref_slice %arg2[%scan3A_32, %dma_start3A_48] : memref<26x16384xi32, #tpu.memory_space<hbm>> -> memref<1x4096xi32, #tpu.memory_space<hbm>>
      %dma_start3A_50 = tpu.memref_squeeze %dma_start3A_49 : memref<1x4096xi32, #tpu.memory_space<hbm>> -> memref<4096xi32, #tpu.memory_space<hbm>>
      %dma_start3A_51 = arith.constant 4096 : i32
      %dma_start3A_52 = tpu.memref_slice %arg2[%scan3A_32, %dma_start3A_51] : memref<26x16384xi32, #tpu.memory_space<hbm>> -> memref<1x4096xi32, #tpu.memory_space<hbm>>
      %dma_start3A_53 = tpu.memref_squeeze %dma_start3A_52 : memref<1x4096xi32, #tpu.memory_space<hbm>> -> memref<4096xi32, #tpu.memory_space<hbm>>
      tpu.enqueue_dma source(%dma_start3A_53 : memref<4096xi32, #tpu.memory_space<hbm>>) target(%arg7 : memref<4096xi32, #tpu.memory_space<vmem>>) target_semaphore(%arg11 : memref<!tpu.dma_semaphore, #tpu.memory_space<semaphore_mem>>)
      %gt3A = arith.constant 0 : i32
      %gt3A_54 = arith.cmpi sgt, %scan3A_32, %gt3A : i32
      %or3A = arith.constant false
      %or3A_55 = arith.ori %gt3A_54, %or3A : i1
      %convert_element_type3A = arith.extui %or3A_55 : i1 to i32
      %cond3A = arith.constant 0 : i32
      %cond3A_56 = arith.cmpi ne, %convert_element_type3A, %cond3A : i32
      scf.if %cond3A_56 {
        %dma_wait3A_168 = arith.constant 0 : i32
        %dma_wait3A_169 = arith.constant 0 : i32
        %dma_wait3A_170 = tpu.memref_slice %arg4[%dma_wait3A_168, %add3A, %dma_wait3A_169] : memref<26x32x16384xf32, #tpu.memory_space<hbm>> -> memref<1x1x4096xf32, #tpu.memory_space<hbm>>
        %dma_wait3A_171 = tpu.memref_squeeze %dma_wait3A_170 : memref<1x1x4096xf32, #tpu.memory_space<hbm>> -> memref<4096xf32, #tpu.memory_space<hbm>>
        %dma_wait3A_172 = arith.constant 0 : i32
        %dma_wait3A_173 = tpu.memref_slice %arg4[%dma_wait3A_168, %add3A, %dma_wait3A_172] : memref<26x32x16384xf32, #tpu.memory_space<hbm>> -> memref<1x1x4096xf32, #tpu.memory_space<hbm>>
        %dma_wait3A_174 = tpu.memref_squeeze %dma_wait3A_173 : memref<1x1x4096xf32, #tpu.memory_space<hbm>> -> memref<4096xf32, #tpu.memory_space<hbm>>
        tpu.wait_dma2 semaphore(%arg12 : memref<!tpu.dma_semaphore, #tpu.memory_space<semaphore_mem>>) src(%arg8 : memref<4096xf32, #tpu.memory_space<vmem>>) dst(%dma_wait3A_174 : memref<4096xf32, #tpu.memory_space<hbm>>)
      } else {
      }
      %scan3A_57 = arith.constant 0 : i32
      %scan3A_58 = arith.constant 0 : i32
      %scan3A_59 = arith.constant 16 : i32
      %scan3A_60 = arith.addi %scan3A_58, %scan3A_59 : i32
      %scan3A_61 = arith.constant 1 : i32
      scf.for %scan3A_168 = %scan3A_58 to %scan3A_60 step %scan3A_61  : i32 {
        %mul3A_169 = arith.constant 256 : i32
        %mul3A_170 = arith.muli %scan3A_168, %mul3A_169 : i32
        %add3A_171 = arith.constant 0 : i32
        %add3A_172 = arith.addi %mul3A_170, %add3A_171 : i32
        %get3A = arith.index_cast %add3A_172 : i32 to index
        %get3A_173 = tpu.vector_load %arg6[%get3A] {strides = array<i32>} : memref<4096xi32, #tpu.memory_space<vmem>>, vector<16xi32>,
        %add3A_174 = arith.constant 16 : i32
        %add3A_175 = arith.addi %mul3A_170, %add3A_174 : i32
        %get3A_176 = arith.index_cast %add3A_175 : i32 to index
        %get3A_177 = tpu.vector_load %arg6[%get3A_176] {strides = array<i32>} : memref<4096xi32, #tpu.memory_space<vmem>>, vector<16xi32>,
        %add3A_178 = arith.constant 32 : i32
        %add3A_179 = arith.addi %mul3A_170, %add3A_178 : i32
        %get3A_180 = arith.index_cast %add3A_179 : i32 to index
        %get3A_181 = tpu.vector_load %arg6[%get3A_180] {strides = array<i32>} : memref<4096xi32, #tpu.memory_space<vmem>>, vector<16xi32>,
        %add3A_182 = arith.constant 48 : i32
        %add3A_183 = arith.addi %mul3A_170, %add3A_182 : i32
        %get3A_184 = arith.index_cast %add3A_183 : i32 to index
        %get3A_185 = tpu.vector_load %arg6[%get3A_184] {strides = array<i32>} : memref<4096xi32, #tpu.memory_space<vmem>>, vector<16xi32>,
        %add3A_186 = arith.constant 64 : i32
        %add3A_187 = arith.addi %mul3A_170, %add3A_186 : i32
        %get3A_188 = arith.index_cast %add3A_187 : i32 to index
        %get3A_189 = tpu.vector_load %arg6[%get3A_188] {strides = array<i32>} : memref<4096xi32, #tpu.memory_space<vmem>>, vector<16xi32>,
        %add3A_190 = arith.constant 80 : i32
        %add3A_191 = arith.addi %mul3A_170, %add3A_190 : i32
        %get3A_192 = arith.index_cast %add3A_191 : i32 to index
        %get3A_193 = tpu.vector_load %arg6[%get3A_192] {strides = array<i32>} : memref<4096xi32, #tpu.memory_space<vmem>>, vector<16xi32>,
        %add3A_194 = arith.constant 96 : i32
        %add3A_195 = arith.addi %mul3A_170, %add3A_194 : i32
        %get3A_196 = arith.index_cast %add3A_195 : i32 to index
        %get3A_197 = tpu.vector_load %arg6[%get3A_196] {strides = array<i32>} : memref<4096xi32, #tpu.memory_space<vmem>>, vector<16xi32>,
        %add3A_198 = arith.constant 112 : i32
        %add3A_199 = arith.addi %mul3A_170, %add3A_198 : i32
        %get3A_200 = arith.index_cast %add3A_199 : i32 to index
        %get3A_201 = tpu.vector_load %arg6[%get3A_200] {strides = array<i32>} : memref<4096xi32, #tpu.memory_space<vmem>>, vector<16xi32>,
        %add3A_202 = arith.constant 128 : i32
        %add3A_203 = arith.addi %mul3A_170, %add3A_202 : i32
        %get3A_204 = arith.index_cast %add3A_203 : i32 to index
        %get3A_205 = tpu.vector_load %arg6[%get3A_204] {strides = array<i32>} : memref<4096xi32, #tpu.memory_space<vmem>>, vector<16xi32>,
        %add3A_206 = arith.constant 144 : i32
        %add3A_207 = arith.addi %mul3A_170, %add3A_206 : i32
        %get3A_208 = arith.index_cast %add3A_207 : i32 to index
        %get3A_209 = tpu.vector_load %arg6[%get3A_208] {strides = array<i32>} : memref<4096xi32, #tpu.memory_space<vmem>>, vector<16xi32>,
        %add3A_210 = arith.constant 160 : i32
        %add3A_211 = arith.addi %mul3A_170, %add3A_210 : i32
        %get3A_212 = arith.index_cast %add3A_211 : i32 to index
        %get3A_213 = tpu.vector_load %arg6[%get3A_212] {strides = array<i32>} : memref<4096xi32, #tpu.memory_space<vmem>>, vector<16xi32>,
        %add3A_214 = arith.constant 176 : i32
        %add3A_215 = arith.addi %mul3A_170, %add3A_214 : i32
        %get3A_216 = arith.index_cast %add3A_215 : i32 to index
        %get3A_217 = tpu.vector_load %arg6[%get3A_216] {strides = array<i32>} : memref<4096xi32, #tpu.memory_space<vmem>>, vector<16xi32>,
        %add3A_218 = arith.constant 192 : i32
        %add3A_219 = arith.addi %mul3A_170, %add3A_218 : i32
        %get3A_220 = arith.index_cast %add3A_219 : i32 to index
        %get3A_221 = tpu.vector_load %arg6[%get3A_220] {strides = array<i32>} : memref<4096xi32, #tpu.memory_space<vmem>>, vector<16xi32>,
        %add3A_222 = arith.constant 208 : i32
        %add3A_223 = arith.addi %mul3A_170, %add3A_222 : i32
        %get3A_224 = arith.index_cast %add3A_223 : i32 to index
        %get3A_225 = tpu.vector_load %arg6[%get3A_224] {strides = array<i32>} : memref<4096xi32, #tpu.memory_space<vmem>>, vector<16xi32>,
        %add3A_226 = arith.constant 224 : i32
        %add3A_227 = arith.addi %mul3A_170, %add3A_226 : i32
        %get3A_228 = arith.index_cast %add3A_227 : i32 to index
        %get3A_229 = tpu.vector_load %arg6[%get3A_228] {strides = array<i32>} : memref<4096xi32, #tpu.memory_space<vmem>>, vector<16xi32>,
        %add3A_230 = arith.constant 240 : i32
        %add3A_231 = arith.addi %mul3A_170, %add3A_230 : i32
        %get3A_232 = arith.index_cast %add3A_231 : i32 to index
        %get3A_233 = tpu.vector_load %arg6[%get3A_232] {strides = array<i32>} : memref<4096xi32, #tpu.memory_space<vmem>>, vector<16xi32>,
        %gather3A = tpu.vector_load_idx %arg5[%get3A_173] : memref<100000xf32, #tpu.memory_space<vmem>>[vector<16xi32>], vector<16xf32>,
        %gather3A_234 = tpu.vector_load_idx %arg5[%get3A_177] : memref<100000xf32, #tpu.memory_space<vmem>>[vector<16xi32>], vector<16xf32>,
        %gather3A_235 = tpu.vector_load_idx %arg5[%get3A_181] : memref<100000xf32, #tpu.memory_space<vmem>>[vector<16xi32>], vector<16xf32>,
        %gather3A_236 = tpu.vector_load_idx %arg5[%get3A_185] : memref<100000xf32, #tpu.memory_space<vmem>>[vector<16xi32>], vector<16xf32>,
        %gather3A_237 = tpu.vector_load_idx %arg5[%get3A_189] : memref<100000xf32, #tpu.memory_space<vmem>>[vector<16xi32>], vector<16xf32>,
        %gather3A_238 = tpu.vector_load_idx %arg5[%get3A_193] : memref<100000xf32, #tpu.memory_space<vmem>>[vector<16xi32>], vector<16xf32>,
        %gather3A_239 = tpu.vector_load_idx %arg5[%get3A_197] : memref<100000xf32, #tpu.memory_space<vmem>>[vector<16xi32>], vector<16xf32>,
        %gather3A_240 = tpu.vector_load_idx %arg5[%get3A_201] : memref<100000xf32, #tpu.memory_space<vmem>>[vector<16xi32>], vector<16xf32>,
        %gather3A_241 = tpu.vector_load_idx %arg5[%get3A_205] : memref<100000xf32, #tpu.memory_space<vmem>>[vector<16xi32>], vector<16xf32>,
        %gather3A_242 = tpu.vector_load_idx %arg5[%get3A_209] : memref<100000xf32, #tpu.memory_space<vmem>>[vector<16xi32>], vector<16xf32>,
        %gather3A_243 = tpu.vector_load_idx %arg5[%get3A_213] : memref<100000xf32, #tpu.memory_space<vmem>>[vector<16xi32>], vector<16xf32>,
        %gather3A_244 = tpu.vector_load_idx %arg5[%get3A_217] : memref<100000xf32, #tpu.memory_space<vmem>>[vector<16xi32>], vector<16xf32>,
        %gather3A_245 = tpu.vector_load_idx %arg5[%get3A_221] : memref<100000xf32, #tpu.memory_space<vmem>>[vector<16xi32>], vector<16xf32>,
        %gather3A_246 = tpu.vector_load_idx %arg5[%get3A_225] : memref<100000xf32, #tpu.memory_space<vmem>>[vector<16xi32>], vector<16xf32>,
        %gather3A_247 = tpu.vector_load_idx %arg5[%get3A_229] : memref<100000xf32, #tpu.memory_space<vmem>>[vector<16xi32>], vector<16xf32>,
        %gather3A_248 = tpu.vector_load_idx %arg5[%get3A_233] : memref<100000xf32, #tpu.memory_space<vmem>>[vector<16xi32>], vector<16xf32>,
        %add3A_249 = arith.constant 0 : i32
        %add3A_250 = arith.addi %mul3A_170, %add3A_249 : i32
        %swap3A = arith.index_cast %add3A_250 : i32 to index
        %swap3A_251 = tpu.vector_load %arg8[%swap3A] {strides = array<i32>} : memref<4096xf32, #tpu.memory_space<vmem>>, vector<16xf32>,
        tpu.vector_store %arg8[%swap3A], %gather3A {strides = array<i32>} : memref<4096xf32, #tpu.memory_space<vmem>>, vector<16xf32>,
        %add3A_252 = arith.constant 16 : i32
        %add3A_253 = arith.addi %mul3A_170, %add3A_252 : i32
        %swap3A_254 = arith.index_cast %add3A_253 : i32 to index
        %swap3A_255 = tpu.vector_load %arg8[%swap3A_254] {strides = array<i32>} : memref<4096xf32, #tpu.memory_space<vmem>>, vector<16xf32>,
        tpu.vector_store %arg8[%swap3A_254], %gather3A_234 {strides = array<i32>} : memref<4096xf32, #tpu.memory_space<vmem>>, vector<16xf32>,
        %add3A_256 = arith.constant 32 : i32
        %add3A_257 = arith.addi %mul3A_170, %add3A_256 : i32
        %swap3A_258 = arith.index_cast %add3A_257 : i32 to index
        %swap3A_259 = tpu.vector_load %arg8[%swap3A_258] {strides = array<i32>} : memref<4096xf32, #tpu.memory_space<vmem>>, vector<16xf32>,
        tpu.vector_store %arg8[%swap3A_258], %gather3A_235 {strides = array<i32>} : memref<4096xf32, #tpu.memory_space<vmem>>, vector<16xf32>,
        %add3A_260 = arith.constant 48 : i32
        %add3A_261 = arith.addi %mul3A_170, %add3A_260 : i32
        %swap3A_262 = arith.index_cast %add3A_261 : i32 to index
        %swap3A_263 = tpu.vector_load %arg8[%swap3A_262] {strides = array<i32>} : memref<4096xf32, #tpu.memory_space<vmem>>, vector<16xf32>,
        tpu.vector_store %arg8[%swap3A_262], %gather3A_236 {strides = array<i32>} : memref<4096xf32, #tpu.memory_space<vmem>>, vector<16xf32>,
        %add3A_264 = arith.constant 64 : i32
        %add3A_265 = arith.addi %mul3A_170, %add3A_264 : i32
        %swap3A_266 = arith.index_cast %add3A_265 : i32 to index
        %swap3A_267 = tpu.vector_load %arg8[%swap3A_266] {strides = array<i32>} : memref<4096xf32, #tpu.memory_space<vmem>>, vector<16xf32>,
        tpu.vector_store %arg8[%swap3A_266], %gather3A_237 {strides = array<i32>} : memref<4096xf32, #tpu.memory_space<vmem>>, vector<16xf32>,
        %add3A_268 = arith.constant 80 : i32
        %add3A_269 = arith.addi %mul3A_170, %add3A_268 : i32
        %swap3A_270 = arith.index_cast %add3A_269 : i32 to index
        %swap3A_271 = tpu.vector_load %arg8[%swap3A_270] {strides = array<i32>} : memref<4096xf32, #tpu.memory_space<vmem>>, vector<16xf32>,
        tpu.vector_store %arg8[%swap3A_270], %gather3A_238 {strides = array<i32>} : memref<4096xf32, #tpu.memory_space<vmem>>, vector<16xf32>,
        %add3A_272 = arith.constant 96 : i32
        %add3A_273 = arith.addi %mul3A_170, %add3A_272 : i32
        %swap3A_274 = arith.index_cast %add3A_273 : i32 to index
        %swap3A_275 = tpu.vector_load %arg8[%swap3A_274] {strides = array<i32>} : memref<4096xf32, #tpu.memory_space<vmem>>, vector<16xf32>,
        tpu.vector_store %arg8[%swap3A_274], %gather3A_239 {strides = array<i32>} : memref<4096xf32, #tpu.memory_space<vmem>>, vector<16xf32>,
        %add3A_276 = arith.constant 112 : i32
        %add3A_277 = arith.addi %mul3A_170, %add3A_276 : i32
        %swap3A_278 = arith.index_cast %add3A_277 : i32 to index
        %swap3A_279 = tpu.vector_load %arg8[%swap3A_278] {strides = array<i32>} : memref<4096xf32, #tpu.memory_space<vmem>>, vector<16xf32>,
        tpu.vector_store %arg8[%swap3A_278], %gather3A_240 {strides = array<i32>} : memref<4096xf32, #tpu.memory_space<vmem>>, vector<16xf32>,
        %add3A_280 = arith.constant 128 : i32
        %add3A_281 = arith.addi %mul3A_170, %add3A_280 : i32
        %swap3A_282 = arith.index_cast %add3A_281 : i32 to index
        %swap3A_283 = tpu.vector_load %arg8[%swap3A_282] {strides = array<i32>} : memref<4096xf32, #tpu.memory_space<vmem>>, vector<16xf32>,
        tpu.vector_store %arg8[%swap3A_282], %gather3A_241 {strides = array<i32>} : memref<4096xf32, #tpu.memory_space<vmem>>, vector<16xf32>,
        %add3A_284 = arith.constant 144 : i32
        %add3A_285 = arith.addi %mul3A_170, %add3A_284 : i32
        %swap3A_286 = arith.index_cast %add3A_285 : i32 to index
        %swap3A_287 = tpu.vector_load %arg8[%swap3A_286] {strides = array<i32>} : memref<4096xf32, #tpu.memory_space<vmem>>, vector<16xf32>,
        tpu.vector_store %arg8[%swap3A_286], %gather3A_242 {strides = array<i32>} : memref<4096xf32, #tpu.memory_space<vmem>>, vector<16xf32>,
        %add3A_288 = arith.constant 160 : i32
        %add3A_289 = arith.addi %mul3A_170, %add3A_288 : i32
        %swap3A_290 = arith.index_cast %add3A_289 : i32 to index
        %swap3A_291 = tpu.vector_load %arg8[%swap3A_290] {strides = array<i32>} : memref<4096xf32, #tpu.memory_space<vmem>>, vector<16xf32>,
        tpu.vector_store %arg8[%swap3A_290], %gather3A_243 {strides = array<i32>} : memref<4096xf32, #tpu.memory_space<vmem>>, vector<16xf32>,
        %add3A_292 = arith.constant 176 : i32
        %add3A_293 = arith.addi %mul3A_170, %add3A_292 : i32
        %swap3A_294 = arith.index_cast %add3A_293 : i32 to index
        %swap3A_295 = tpu.vector_load %arg8[%swap3A_294] {strides = array<i32>} : memref<4096xf32, #tpu.memory_space<vmem>>, vector<16xf32>,
        tpu.vector_store %arg8[%swap3A_294], %gather3A_244 {strides = array<i32>} : memref<4096xf32, #tpu.memory_space<vmem>>, vector<16xf32>,
        %add3A_296 = arith.constant 192 : i32
        %add3A_297 = arith.addi %mul3A_170, %add3A_296 : i32
        %swap3A_298 = arith.index_cast %add3A_297 : i32 to index
        %swap3A_299 = tpu.vector_load %arg8[%swap3A_298] {strides = array<i32>} : memref<4096xf32, #tpu.memory_space<vmem>>, vector<16xf32>,
        tpu.vector_store %arg8[%swap3A_298], %gather3A_245 {strides = array<i32>} : memref<4096xf32, #tpu.memory_space<vmem>>, vector<16xf32>,
        %add3A_300 = arith.constant 208 : i32
        %add3A_301 = arith.addi %mul3A_170, %add3A_300 : i32
        %swap3A_302 = arith.index_cast %add3A_301 : i32 to index
        %swap3A_303 = tpu.vector_load %arg8[%swap3A_302] {strides = array<i32>} : memref<4096xf32, #tpu.memory_space<vmem>>, vector<16xf32>,
        tpu.vector_store %arg8[%swap3A_302], %gather3A_246 {strides = array<i32>} : memref<4096xf32, #tpu.memory_space<vmem>>, vector<16xf32>,
        %add3A_304 = arith.constant 224 : i32
        %add3A_305 = arith.addi %mul3A_170, %add3A_304 : i32
        %swap3A_306 = arith.index_cast %add3A_305 : i32 to index
        %swap3A_307 = tpu.vector_load %arg8[%swap3A_306] {strides = array<i32>} : memref<4096xf32, #tpu.memory_space<vmem>>, vector<16xf32>,
        tpu.vector_store %arg8[%swap3A_306], %gather3A_247 {strides = array<i32>} : memref<4096xf32, #tpu.memory_space<vmem>>, vector<16xf32>,
        %add3A_308 = arith.constant 240 : i32
        %add3A_309 = arith.addi %mul3A_170, %add3A_308 : i32
        %swap3A_310 = arith.index_cast %add3A_309 : i32 to index
        %swap3A_311 = tpu.vector_load %arg8[%swap3A_310] {strides = array<i32>} : memref<4096xf32, #tpu.memory_space<vmem>>, vector<16xf32>,
        tpu.vector_store %arg8[%swap3A_310], %gather3A_248 {strides = array<i32>} : memref<4096xf32, #tpu.memory_space<vmem>>, vector<16xf32>,
      }
      %scan3A_62 = arith.constant 16 : i32
      %dma_start3A_63 = arith.constant 0 : i32
      %dma_start3A_64 = tpu.memref_slice %arg4[%scan3A_32, %add3A, %dma_start3A_63] : memref<26x32x16384xf32, #tpu.memory_space<hbm>> -> memref<1x1x4096xf32, #tpu.memory_space<hbm>>
      %dma_start3A_65 = tpu.memref_squeeze %dma_start3A_64 : memref<1x1x4096xf32, #tpu.memory_space<hbm>> -> memref<4096xf32, #tpu.memory_space<hbm>>
      %dma_start3A_66 = arith.constant 0 : i32
      %dma_start3A_67 = tpu.memref_slice %arg4[%scan3A_32, %add3A, %dma_start3A_66] : memref<26x32x16384xf32, #tpu.memory_space<hbm>> -> memref<1x1x4096xf32, #tpu.memory_space<hbm>>
      %dma_start3A_68 = tpu.memref_squeeze %dma_start3A_67 : memref<1x1x4096xf32, #tpu.memory_space<hbm>> -> memref<4096xf32, #tpu.memory_space<hbm>>
      tpu.enqueue_dma source(%arg8 : memref<4096xf32, #tpu.memory_space<vmem>>) target(%dma_start3A_68 : memref<4096xf32, #tpu.memory_space<hbm>>) target_semaphore(%arg12 : memref<!tpu.dma_semaphore, #tpu.memory_space<semaphore_mem>>)
      %dma_wait3A_69 = arith.constant 0 : i32
      %dma_wait3A_70 = arith.constant 0 : i32
      %dma_wait3A_71 = tpu.memref_slice %arg2[%dma_wait3A_69, %dma_wait3A_70] : memref<26x16384xi32, #tpu.memory_space<hbm>> -> memref<1x4096xi32, #tpu.memory_space<hbm>>
      %dma_wait3A_72 = tpu.memref_squeeze %dma_wait3A_71 : memref<1x4096xi32, #tpu.memory_space<hbm>> -> memref<4096xi32, #tpu.memory_space<hbm>>
      %dma_wait3A_73 = arith.constant 0 : i32
      %dma_wait3A_74 = tpu.memref_slice %arg2[%dma_wait3A_69, %dma_wait3A_73] : memref<26x16384xi32, #tpu.memory_space<hbm>> -> memref<1x4096xi32, #tpu.memory_space<hbm>>
      %dma_wait3A_75 = tpu.memref_squeeze %dma_wait3A_74 : memref<1x4096xi32, #tpu.memory_space<hbm>> -> memref<4096xi32, #tpu.memory_space<hbm>>
      tpu.wait_dma2 semaphore(%arg11 : memref<!tpu.dma_semaphore, #tpu.memory_space<semaphore_mem>>) src(%dma_wait3A_75 : memref<4096xi32, #tpu.memory_space<hbm>>) dst(%arg7 : memref<4096xi32, #tpu.memory_space<vmem>>)
      %dma_start3A_76 = arith.constant 8192 : i32
      %dma_start3A_77 = tpu.memref_slice %arg2[%scan3A_32, %dma_start3A_76] : memref<26x16384xi32, #tpu.memory_space<hbm>> -> memref<1x4096xi32, #tpu.memory_space<hbm>>
      %dma_start3A_78 = tpu.memref_squeeze %dma_start3A_77 : memref<1x4096xi32, #tpu.memory_space<hbm>> -> memref<4096xi32, #tpu.memory_space<hbm>>
      %dma_start3A_79 = arith.constant 8192 : i32
      %dma_start3A_80 = tpu.memref_slice %arg2[%scan3A_32, %dma_start3A_79] : memref<26x16384xi32, #tpu.memory_space<hbm>> -> memref<1x4096xi32, #tpu.memory_space<hbm>>
      %dma_start3A_81 = tpu.memref_squeeze %dma_start3A_80 : memref<1x4096xi32, #tpu.memory_space<hbm>> -> memref<4096xi32, #tpu.memory_space<hbm>>
      tpu.enqueue_dma source(%dma_start3A_81 : memref<4096xi32, #tpu.memory_space<hbm>>) target(%arg6 : memref<4096xi32, #tpu.memory_space<vmem>>) target_semaphore(%arg11 : memref<!tpu.dma_semaphore, #tpu.memory_space<semaphore_mem>>)
      %gt3A_82 = arith.constant 0 : i32
      %gt3A_83 = arith.cmpi sgt, %scan3A_32, %gt3A_82 : i32
      %or3A_84 = arith.constant false
      %or3A_85 = arith.ori %gt3A_83, %or3A_84 : i1
      %convert_element_type3A_86 = arith.extui %or3A_85 : i1 to i32
      %cond3A_87 = arith.constant 0 : i32
      %cond3A_88 = arith.cmpi ne, %convert_element_type3A_86, %cond3A_87 : i32
      scf.if %cond3A_88 {
        %dma_wait3A_168 = arith.constant 0 : i32
        %dma_wait3A_169 = arith.constant 0 : i32
        %dma_wait3A_170 = tpu.memref_slice %arg4[%dma_wait3A_168, %add3A, %dma_wait3A_169] : memref<26x32x16384xf32, #tpu.memory_space<hbm>> -> memref<1x1x4096xf32, #tpu.memory_space<hbm>>
        %dma_wait3A_171 = tpu.memref_squeeze %dma_wait3A_170 : memref<1x1x4096xf32, #tpu.memory_space<hbm>> -> memref<4096xf32, #tpu.memory_space<hbm>>
        %dma_wait3A_172 = arith.constant 0 : i32
        %dma_wait3A_173 = tpu.memref_slice %arg4[%dma_wait3A_168, %add3A, %dma_wait3A_172] : memref<26x32x16384xf32, #tpu.memory_space<hbm>> -> memref<1x1x4096xf32, #tpu.memory_space<hbm>>
        %dma_wait3A_174 = tpu.memref_squeeze %dma_wait3A_173 : memref<1x1x4096xf32, #tpu.memory_space<hbm>> -> memref<4096xf32, #tpu.memory_space<hbm>>
        tpu.wait_dma2 semaphore(%arg12 : memref<!tpu.dma_semaphore, #tpu.memory_space<semaphore_mem>>) src(%arg9 : memref<4096xf32, #tpu.memory_space<vmem>>) dst(%dma_wait3A_174 : memref<4096xf32, #tpu.memory_space<hbm>>)
      } else {
      }
      %scan3A_89 = arith.constant 0 : i32
      %scan3A_90 = arith.constant 0 : i32
      %scan3A_91 = arith.constant 16 : i32
      %scan3A_92 = arith.addi %scan3A_90, %scan3A_91 : i32
      %scan3A_93 = arith.constant 1 : i32
      scf.for %scan3A_168 = %scan3A_90 to %scan3A_92 step %scan3A_93  : i32 {
        %mul3A_169 = arith.constant 256 : i32
        %mul3A_170 = arith.muli %scan3A_168, %mul3A_169 : i32
        %add3A_171 = arith.constant 0 : i32
        %add3A_172 = arith.addi %mul3A_170, %add3A_171 : i32
        %get3A = arith.index_cast %add3A_172 : i32 to index
        %get3A_173 = tpu.vector_load %arg7[%get3A] {strides = array<i32>} : memref<4096xi32, #tpu.memory_space<vmem>>, vector<16xi32>,
        %add3A_174 = arith.constant 16 : i32
        %add3A_175 = arith.addi %mul3A_170, %add3A_174 : i32
        %get3A_176 = arith.index_cast %add3A_175 : i32 to index
        %get3A_177 = tpu.vector_load %arg7[%get3A_176] {strides = array<i32>} : memref<4096xi32, #tpu.memory_space<vmem>>, vector<16xi32>,
        %add3A_178 = arith.constant 32 : i32
        %add3A_179 = arith.addi %mul3A_170, %add3A_178 : i32
        %get3A_180 = arith.index_cast %add3A_179 : i32 to index
        %get3A_181 = tpu.vector_load %arg7[%get3A_180] {strides = array<i32>} : memref<4096xi32, #tpu.memory_space<vmem>>, vector<16xi32>,
        %add3A_182 = arith.constant 48 : i32
        %add3A_183 = arith.addi %mul3A_170, %add3A_182 : i32
        %get3A_184 = arith.index_cast %add3A_183 : i32 to index
        %get3A_185 = tpu.vector_load %arg7[%get3A_184] {strides = array<i32>} : memref<4096xi32, #tpu.memory_space<vmem>>, vector<16xi32>,
        %add3A_186 = arith.constant 64 : i32
        %add3A_187 = arith.addi %mul3A_170, %add3A_186 : i32
        %get3A_188 = arith.index_cast %add3A_187 : i32 to index
        %get3A_189 = tpu.vector_load %arg7[%get3A_188] {strides = array<i32>} : memref<4096xi32, #tpu.memory_space<vmem>>, vector<16xi32>,
        %add3A_190 = arith.constant 80 : i32
        %add3A_191 = arith.addi %mul3A_170, %add3A_190 : i32
        %get3A_192 = arith.index_cast %add3A_191 : i32 to index
        %get3A_193 = tpu.vector_load %arg7[%get3A_192] {strides = array<i32>} : memref<4096xi32, #tpu.memory_space<vmem>>, vector<16xi32>,
        %add3A_194 = arith.constant 96 : i32
        %add3A_195 = arith.addi %mul3A_170, %add3A_194 : i32
        %get3A_196 = arith.index_cast %add3A_195 : i32 to index
        %get3A_197 = tpu.vector_load %arg7[%get3A_196] {strides = array<i32>} : memref<4096xi32, #tpu.memory_space<vmem>>, vector<16xi32>,
        %add3A_198 = arith.constant 112 : i32
        %add3A_199 = arith.addi %mul3A_170, %add3A_198 : i32
        %get3A_200 = arith.index_cast %add3A_199 : i32 to index
        %get3A_201 = tpu.vector_load %arg7[%get3A_200] {strides = array<i32>} : memref<4096xi32, #tpu.memory_space<vmem>>, vector<16xi32>,
        %add3A_202 = arith.constant 128 : i32
        %add3A_203 = arith.addi %mul3A_170, %add3A_202 : i32
        %get3A_204 = arith.index_cast %add3A_203 : i32 to index
        %get3A_205 = tpu.vector_load %arg7[%get3A_204] {strides = array<i32>} : memref<4096xi32, #tpu.memory_space<vmem>>, vector<16xi32>,
        %add3A_206 = arith.constant 144 : i32
        %add3A_207 = arith.addi %mul3A_170, %add3A_206 : i32
        %get3A_208 = arith.index_cast %add3A_207 : i32 to index
        %get3A_209 = tpu.vector_load %arg7[%get3A_208] {strides = array<i32>} : memref<4096xi32, #tpu.memory_space<vmem>>, vector<16xi32>,
        %add3A_210 = arith.constant 160 : i32
        %add3A_211 = arith.addi %mul3A_170, %add3A_210 : i32
        %get3A_212 = arith.index_cast %add3A_211 : i32 to index
        %get3A_213 = tpu.vector_load %arg7[%get3A_212] {strides = array<i32>} : memref<4096xi32, #tpu.memory_space<vmem>>, vector<16xi32>,
        %add3A_214 = arith.constant 176 : i32
        %add3A_215 = arith.addi %mul3A_170, %add3A_214 : i32
        %get3A_216 = arith.index_cast %add3A_215 : i32 to index
        %get3A_217 = tpu.vector_load %arg7[%get3A_216] {strides = array<i32>} : memref<4096xi32, #tpu.memory_space<vmem>>, vector<16xi32>,
        %add3A_218 = arith.constant 192 : i32
        %add3A_219 = arith.addi %mul3A_170, %add3A_218 : i32
        %get3A_220 = arith.index_cast %add3A_219 : i32 to index
        %get3A_221 = tpu.vector_load %arg7[%get3A_220] {strides = array<i32>} : memref<4096xi32, #tpu.memory_space<vmem>>, vector<16xi32>,
        %add3A_222 = arith.constant 208 : i32
        %add3A_223 = arith.addi %mul3A_170, %add3A_222 : i32
        %get3A_224 = arith.index_cast %add3A_223 : i32 to index
        %get3A_225 = tpu.vector_load %arg7[%get3A_224] {strides = array<i32>} : memref<4096xi32, #tpu.memory_space<vmem>>, vector<16xi32>,
        %add3A_226 = arith.constant 224 : i32
        %add3A_227 = arith.addi %mul3A_170, %add3A_226 : i32
        %get3A_228 = arith.index_cast %add3A_227 : i32 to index
        %get3A_229 = tpu.vector_load %arg7[%get3A_228] {strides = array<i32>} : memref<4096xi32, #tpu.memory_space<vmem>>, vector<16xi32>,
        %add3A_230 = arith.constant 240 : i32
        %add3A_231 = arith.addi %mul3A_170, %add3A_230 : i32
        %get3A_232 = arith.index_cast %add3A_231 : i32 to index
        %get3A_233 = tpu.vector_load %arg7[%get3A_232] {strides = array<i32>} : memref<4096xi32, #tpu.memory_space<vmem>>, vector<16xi32>,
        %gather3A = tpu.vector_load_idx %arg5[%get3A_173] : memref<100000xf32, #tpu.memory_space<vmem>>[vector<16xi32>], vector<16xf32>,
        %gather3A_234 = tpu.vector_load_idx %arg5[%get3A_177] : memref<100000xf32, #tpu.memory_space<vmem>>[vector<16xi32>], vector<16xf32>,
        %gather3A_235 = tpu.vector_load_idx %arg5[%get3A_181] : memref<100000xf32, #tpu.memory_space<vmem>>[vector<16xi32>], vector<16xf32>,
        %gather3A_236 = tpu.vector_load_idx %arg5[%get3A_185] : memref<100000xf32, #tpu.memory_space<vmem>>[vector<16xi32>], vector<16xf32>,
        %gather3A_237 = tpu.vector_load_idx %arg5[%get3A_189] : memref<100000xf32, #tpu.memory_space<vmem>>[vector<16xi32>], vector<16xf32>,
        %gather3A_238 = tpu.vector_load_idx %arg5[%get3A_193] : memref<100000xf32, #tpu.memory_space<vmem>>[vector<16xi32>], vector<16xf32>,
        %gather3A_239 = tpu.vector_load_idx %arg5[%get3A_197] : memref<100000xf32, #tpu.memory_space<vmem>>[vector<16xi32>], vector<16xf32>,
        %gather3A_240 = tpu.vector_load_idx %arg5[%get3A_201] : memref<100000xf32, #tpu.memory_space<vmem>>[vector<16xi32>], vector<16xf32>,
        %gather3A_241 = tpu.vector_load_idx %arg5[%get3A_205] : memref<100000xf32, #tpu.memory_space<vmem>>[vector<16xi32>], vector<16xf32>,
        %gather3A_242 = tpu.vector_load_idx %arg5[%get3A_209] : memref<100000xf32, #tpu.memory_space<vmem>>[vector<16xi32>], vector<16xf32>,
        %gather3A_243 = tpu.vector_load_idx %arg5[%get3A_213] : memref<100000xf32, #tpu.memory_space<vmem>>[vector<16xi32>], vector<16xf32>,
        %gather3A_244 = tpu.vector_load_idx %arg5[%get3A_217] : memref<100000xf32, #tpu.memory_space<vmem>>[vector<16xi32>], vector<16xf32>,
        %gather3A_245 = tpu.vector_load_idx %arg5[%get3A_221] : memref<100000xf32, #tpu.memory_space<vmem>>[vector<16xi32>], vector<16xf32>,
        %gather3A_246 = tpu.vector_load_idx %arg5[%get3A_225] : memref<100000xf32, #tpu.memory_space<vmem>>[vector<16xi32>], vector<16xf32>,
        %gather3A_247 = tpu.vector_load_idx %arg5[%get3A_229] : memref<100000xf32, #tpu.memory_space<vmem>>[vector<16xi32>], vector<16xf32>,
        %gather3A_248 = tpu.vector_load_idx %arg5[%get3A_233] : memref<100000xf32, #tpu.memory_space<vmem>>[vector<16xi32>], vector<16xf32>,
        %add3A_249 = arith.constant 0 : i32
        %add3A_250 = arith.addi %mul3A_170, %add3A_249 : i32
        %swap3A = arith.index_cast %add3A_250 : i32 to index
        %swap3A_251 = tpu.vector_load %arg9[%swap3A] {strides = array<i32>} : memref<4096xf32, #tpu.memory_space<vmem>>, vector<16xf32>,
        tpu.vector_store %arg9[%swap3A], %gather3A {strides = array<i32>} : memref<4096xf32, #tpu.memory_space<vmem>>, vector<16xf32>,
        %add3A_252 = arith.constant 16 : i32
        %add3A_253 = arith.addi %mul3A_170, %add3A_252 : i32
        %swap3A_254 = arith.index_cast %add3A_253 : i32 to index
        %swap3A_255 = tpu.vector_load %arg9[%swap3A_254] {strides = array<i32>} : memref<4096xf32, #tpu.memory_space<vmem>>, vector<16xf32>,
        tpu.vector_store %arg9[%swap3A_254], %gather3A_234 {strides = array<i32>} : memref<4096xf32, #tpu.memory_space<vmem>>, vector<16xf32>,
        %add3A_256 = arith.constant 32 : i32
        %add3A_257 = arith.addi %mul3A_170, %add3A_256 : i32
        %swap3A_258 = arith.index_cast %add3A_257 : i32 to index
        %swap3A_259 = tpu.vector_load %arg9[%swap3A_258] {strides = array<i32>} : memref<4096xf32, #tpu.memory_space<vmem>>, vector<16xf32>,
        tpu.vector_store %arg9[%swap3A_258], %gather3A_235 {strides = array<i32>} : memref<4096xf32, #tpu.memory_space<vmem>>, vector<16xf32>,
        %add3A_260 = arith.constant 48 : i32
        %add3A_261 = arith.addi %mul3A_170, %add3A_260 : i32
        %swap3A_262 = arith.index_cast %add3A_261 : i32 to index
        %swap3A_263 = tpu.vector_load %arg9[%swap3A_262] {strides = array<i32>} : memref<4096xf32, #tpu.memory_space<vmem>>, vector<16xf32>,
        tpu.vector_store %arg9[%swap3A_262], %gather3A_236 {strides = array<i32>} : memref<4096xf32, #tpu.memory_space<vmem>>, vector<16xf32>,
        %add3A_264 = arith.constant 64 : i32
        %add3A_265 = arith.addi %mul3A_170, %add3A_264 : i32
        %swap3A_266 = arith.index_cast %add3A_265 : i32 to index
        %swap3A_267 = tpu.vector_load %arg9[%swap3A_266] {strides = array<i32>} : memref<4096xf32, #tpu.memory_space<vmem>>, vector<16xf32>,
        tpu.vector_store %arg9[%swap3A_266], %gather3A_237 {strides = array<i32>} : memref<4096xf32, #tpu.memory_space<vmem>>, vector<16xf32>,
        %add3A_268 = arith.constant 80 : i32
        %add3A_269 = arith.addi %mul3A_170, %add3A_268 : i32
        %swap3A_270 = arith.index_cast %add3A_269 : i32 to index
        %swap3A_271 = tpu.vector_load %arg9[%swap3A_270] {strides = array<i32>} : memref<4096xf32, #tpu.memory_space<vmem>>, vector<16xf32>,
        tpu.vector_store %arg9[%swap3A_270], %gather3A_238 {strides = array<i32>} : memref<4096xf32, #tpu.memory_space<vmem>>, vector<16xf32>,
        %add3A_272 = arith.constant 96 : i32
        %add3A_273 = arith.addi %mul3A_170, %add3A_272 : i32
        %swap3A_274 = arith.index_cast %add3A_273 : i32 to index
        %swap3A_275 = tpu.vector_load %arg9[%swap3A_274] {strides = array<i32>} : memref<4096xf32, #tpu.memory_space<vmem>>, vector<16xf32>,
        tpu.vector_store %arg9[%swap3A_274], %gather3A_239 {strides = array<i32>} : memref<4096xf32, #tpu.memory_space<vmem>>, vector<16xf32>,
        %add3A_276 = arith.constant 112 : i32
        %add3A_277 = arith.addi %mul3A_170, %add3A_276 : i32
        %swap3A_278 = arith.index_cast %add3A_277 : i32 to index
        %swap3A_279 = tpu.vector_load %arg9[%swap3A_278] {strides = array<i32>} : memref<4096xf32, #tpu.memory_space<vmem>>, vector<16xf32>,
        tpu.vector_store %arg9[%swap3A_278], %gather3A_240 {strides = array<i32>} : memref<4096xf32, #tpu.memory_space<vmem>>, vector<16xf32>,
        %add3A_280 = arith.constant 128 : i32
        %add3A_281 = arith.addi %mul3A_170, %add3A_280 : i32
        %swap3A_282 = arith.index_cast %add3A_281 : i32 to index
        %swap3A_283 = tpu.vector_load %arg9[%swap3A_282] {strides = array<i32>} : memref<4096xf32, #tpu.memory_space<vmem>>, vector<16xf32>,
        tpu.vector_store %arg9[%swap3A_282], %gather3A_241 {strides = array<i32>} : memref<4096xf32, #tpu.memory_space<vmem>>, vector<16xf32>,
        %add3A_284 = arith.constant 144 : i32
        %add3A_285 = arith.addi %mul3A_170, %add3A_284 : i32
        %swap3A_286 = arith.index_cast %add3A_285 : i32 to index
        %swap3A_287 = tpu.vector_load %arg9[%swap3A_286] {strides = array<i32>} : memref<4096xf32, #tpu.memory_space<vmem>>, vector<16xf32>,
        tpu.vector_store %arg9[%swap3A_286], %gather3A_242 {strides = array<i32>} : memref<4096xf32, #tpu.memory_space<vmem>>, vector<16xf32>,
        %add3A_288 = arith.constant 160 : i32
        %add3A_289 = arith.addi %mul3A_170, %add3A_288 : i32
        %swap3A_290 = arith.index_cast %add3A_289 : i32 to index
        %swap3A_291 = tpu.vector_load %arg9[%swap3A_290] {strides = array<i32>} : memref<4096xf32, #tpu.memory_space<vmem>>, vector<16xf32>,
        tpu.vector_store %arg9[%swap3A_290], %gather3A_243 {strides = array<i32>} : memref<4096xf32, #tpu.memory_space<vmem>>, vector<16xf32>,
        %add3A_292 = arith.constant 176 : i32
        %add3A_293 = arith.addi %mul3A_170, %add3A_292 : i32
        %swap3A_294 = arith.index_cast %add3A_293 : i32 to index
        %swap3A_295 = tpu.vector_load %arg9[%swap3A_294] {strides = array<i32>} : memref<4096xf32, #tpu.memory_space<vmem>>, vector<16xf32>,
        tpu.vector_store %arg9[%swap3A_294], %gather3A_244 {strides = array<i32>} : memref<4096xf32, #tpu.memory_space<vmem>>, vector<16xf32>,
        %add3A_296 = arith.constant 192 : i32
        %add3A_297 = arith.addi %mul3A_170, %add3A_296 : i32
        %swap3A_298 = arith.index_cast %add3A_297 : i32 to index
        %swap3A_299 = tpu.vector_load %arg9[%swap3A_298] {strides = array<i32>} : memref<4096xf32, #tpu.memory_space<vmem>>, vector<16xf32>,
        tpu.vector_store %arg9[%swap3A_298], %gather3A_245 {strides = array<i32>} : memref<4096xf32, #tpu.memory_space<vmem>>, vector<16xf32>,
        %add3A_300 = arith.constant 208 : i32
        %add3A_301 = arith.addi %mul3A_170, %add3A_300 : i32
        %swap3A_302 = arith.index_cast %add3A_301 : i32 to index
        %swap3A_303 = tpu.vector_load %arg9[%swap3A_302] {strides = array<i32>} : memref<4096xf32, #tpu.memory_space<vmem>>, vector<16xf32>,
        tpu.vector_store %arg9[%swap3A_302], %gather3A_246 {strides = array<i32>} : memref<4096xf32, #tpu.memory_space<vmem>>, vector<16xf32>,
        %add3A_304 = arith.constant 224 : i32
        %add3A_305 = arith.addi %mul3A_170, %add3A_304 : i32
        %swap3A_306 = arith.index_cast %add3A_305 : i32 to index
        %swap3A_307 = tpu.vector_load %arg9[%swap3A_306] {strides = array<i32>} : memref<4096xf32, #tpu.memory_space<vmem>>, vector<16xf32>,
        tpu.vector_store %arg9[%swap3A_306], %gather3A_247 {strides = array<i32>} : memref<4096xf32, #tpu.memory_space<vmem>>, vector<16xf32>,
        %add3A_308 = arith.constant 240 : i32
        %add3A_309 = arith.addi %mul3A_170, %add3A_308 : i32
        %swap3A_310 = arith.index_cast %add3A_309 : i32 to index
        %swap3A_311 = tpu.vector_load %arg9[%swap3A_310] {strides = array<i32>} : memref<4096xf32, #tpu.memory_space<vmem>>, vector<16xf32>,
        tpu.vector_store %arg9[%swap3A_310], %gather3A_248 {strides = array<i32>} : memref<4096xf32, #tpu.memory_space<vmem>>, vector<16xf32>,
      }
      %scan3A_94 = arith.constant 16 : i32
      %dma_start3A_95 = arith.constant 4096 : i32
      %dma_start3A_96 = tpu.memref_slice %arg4[%scan3A_32, %add3A, %dma_start3A_95] : memref<26x32x16384xf32, #tpu.memory_space<hbm>> -> memref<1x1x4096xf32, #tpu.memory_space<hbm>>
      %dma_start3A_97 = tpu.memref_squeeze %dma_start3A_96 : memref<1x1x4096xf32, #tpu.memory_space<hbm>> -> memref<4096xf32, #tpu.memory_space<hbm>>
      %dma_start3A_98 = arith.constant 4096 : i32
      %dma_start3A_99 = tpu.memref_slice %arg4[%scan3A_32, %add3A, %dma_start3A_98] : memref<26x32x16384xf32, #tpu.memory_space<hbm>> -> memref<1x1x4096xf32, #tpu.memory_space<hbm>>
      %dma_start3A_100 = tpu.memref_squeeze %dma_start3A_99 : memref<1x1x4096xf32, #tpu.memory_space<hbm>> -> memref<4096xf32, #tpu.memory_space<hbm>>
      tpu.enqueue_dma source(%arg9 : memref<4096xf32, #tpu.memory_space<vmem>>) target(%dma_start3A_100 : memref<4096xf32, #tpu.memory_space<hbm>>) target_semaphore(%arg12 : memref<!tpu.dma_semaphore, #tpu.memory_space<semaphore_mem>>)
      %dma_wait3A_101 = arith.constant 0 : i32
      %dma_wait3A_102 = arith.constant 0 : i32
      %dma_wait3A_103 = tpu.memref_slice %arg2[%dma_wait3A_101, %dma_wait3A_102] : memref<26x16384xi32, #tpu.memory_space<hbm>> -> memref<1x4096xi32, #tpu.memory_space<hbm>>
      %dma_wait3A_104 = tpu.memref_squeeze %dma_wait3A_103 : memref<1x4096xi32, #tpu.memory_space<hbm>> -> memref<4096xi32, #tpu.memory_space<hbm>>
      %dma_wait3A_105 = arith.constant 0 : i32
      %dma_wait3A_106 = tpu.memref_slice %arg2[%dma_wait3A_101, %dma_wait3A_105] : memref<26x16384xi32, #tpu.memory_space<hbm>> -> memref<1x4096xi32, #tpu.memory_space<hbm>>
      %dma_wait3A_107 = tpu.memref_squeeze %dma_wait3A_106 : memref<1x4096xi32, #tpu.memory_space<hbm>> -> memref<4096xi32, #tpu.memory_space<hbm>>
      tpu.wait_dma2 semaphore(%arg11 : memref<!tpu.dma_semaphore, #tpu.memory_space<semaphore_mem>>) src(%dma_wait3A_107 : memref<4096xi32, #tpu.memory_space<hbm>>) dst(%arg6 : memref<4096xi32, #tpu.memory_space<vmem>>)
      %dma_start3A_108 = arith.constant 12288 : i32
      %dma_start3A_109 = tpu.memref_slice %arg2[%scan3A_32, %dma_start3A_108] : memref<26x16384xi32, #tpu.memory_space<hbm>> -> memref<1x4096xi32, #tpu.memory_space<hbm>>
      %dma_start3A_110 = tpu.memref_squeeze %dma_start3A_109 : memref<1x4096xi32, #tpu.memory_space<hbm>> -> memref<4096xi32, #tpu.memory_space<hbm>>
      %dma_start3A_111 = arith.constant 12288 : i32
      %dma_start3A_112 = tpu.memref_slice %arg2[%scan3A_32, %dma_start3A_111] : memref<26x16384xi32, #tpu.memory_space<hbm>> -> memref<1x4096xi32, #tpu.memory_space<hbm>>
      %dma_start3A_113 = tpu.memref_squeeze %dma_start3A_112 : memref<1x4096xi32, #tpu.memory_space<hbm>> -> memref<4096xi32, #tpu.memory_space<hbm>>
      tpu.enqueue_dma source(%dma_start3A_113 : memref<4096xi32, #tpu.memory_space<hbm>>) target(%arg7 : memref<4096xi32, #tpu.memory_space<vmem>>) target_semaphore(%arg11 : memref<!tpu.dma_semaphore, #tpu.memory_space<semaphore_mem>>)
      %gt3A_114 = arith.constant 0 : i32
      %gt3A_115 = arith.cmpi sgt, %scan3A_32, %gt3A_114 : i32
      %or3A_116 = arith.constant true
      %or3A_117 = arith.ori %gt3A_115, %or3A_116 : i1
      %convert_element_type3A_118 = arith.extui %or3A_117 : i1 to i32
      %cond3A_119 = arith.constant 0 : i32
      %cond3A_120 = arith.cmpi ne, %convert_element_type3A_118, %cond3A_119 : i32
      scf.if %cond3A_120 {
        %dma_wait3A_168 = arith.constant 0 : i32
        %dma_wait3A_169 = arith.constant 0 : i32
        %dma_wait3A_170 = tpu.memref_slice %arg4[%dma_wait3A_168, %add3A, %dma_wait3A_169] : memref<26x32x16384xf32, #tpu.memory_space<hbm>> -> memref<1x1x4096xf32, #tpu.memory_space<hbm>>
        %dma_wait3A_171 = tpu.memref_squeeze %dma_wait3A_170 : memref<1x1x4096xf32, #tpu.memory_space<hbm>> -> memref<4096xf32, #tpu.memory_space<hbm>>
        %dma_wait3A_172 = arith.constant 0 : i32
        %dma_wait3A_173 = tpu.memref_slice %arg4[%dma_wait3A_168, %add3A, %dma_wait3A_172] : memref<26x32x16384xf32, #tpu.memory_space<hbm>> -> memref<1x1x4096xf32, #tpu.memory_space<hbm>>
        %dma_wait3A_174 = tpu.memref_squeeze %dma_wait3A_173 : memref<1x1x4096xf32, #tpu.memory_space<hbm>> -> memref<4096xf32, #tpu.memory_space<hbm>>
        tpu.wait_dma2 semaphore(%arg12 : memref<!tpu.dma_semaphore, #tpu.memory_space<semaphore_mem>>) src(%arg8 : memref<4096xf32, #tpu.memory_space<vmem>>) dst(%dma_wait3A_174 : memref<4096xf32, #tpu.memory_space<hbm>>)
      } else {
      }
      %scan3A_121 = arith.constant 0 : i32
      %scan3A_122 = arith.constant 0 : i32
      %scan3A_123 = arith.constant 16 : i32
      %scan3A_124 = arith.addi %scan3A_122, %scan3A_123 : i32
      %scan3A_125 = arith.constant 1 : i32
      scf.for %scan3A_168 = %scan3A_122 to %scan3A_124 step %scan3A_125  : i32 {
        %mul3A_169 = arith.constant 256 : i32
        %mul3A_170 = arith.muli %scan3A_168, %mul3A_169 : i32
        %add3A_171 = arith.constant 0 : i32
        %add3A_172 = arith.addi %mul3A_170, %add3A_171 : i32
        %get3A = arith.index_cast %add3A_172 : i32 to index
        %get3A_173 = tpu.vector_load %arg6[%get3A] {strides = array<i32>} : memref<4096xi32, #tpu.memory_space<vmem>>, vector<16xi32>,
        %add3A_174 = arith.constant 16 : i32
        %add3A_175 = arith.addi %mul3A_170, %add3A_174 : i32
        %get3A_176 = arith.index_cast %add3A_175 : i32 to index
        %get3A_177 = tpu.vector_load %arg6[%get3A_176] {strides = array<i32>} : memref<4096xi32, #tpu.memory_space<vmem>>, vector<16xi32>,
        %add3A_178 = arith.constant 32 : i32
        %add3A_179 = arith.addi %mul3A_170, %add3A_178 : i32
        %get3A_180 = arith.index_cast %add3A_179 : i32 to index
        %get3A_181 = tpu.vector_load %arg6[%get3A_180] {strides = array<i32>} : memref<4096xi32, #tpu.memory_space<vmem>>, vector<16xi32>,
        %add3A_182 = arith.constant 48 : i32
        %add3A_183 = arith.addi %mul3A_170, %add3A_182 : i32
        %get3A_184 = arith.index_cast %add3A_183 : i32 to index
        %get3A_185 = tpu.vector_load %arg6[%get3A_184] {strides = array<i32>} : memref<4096xi32, #tpu.memory_space<vmem>>, vector<16xi32>,
        %add3A_186 = arith.constant 64 : i32
        %add3A_187 = arith.addi %mul3A_170, %add3A_186 : i32
        %get3A_188 = arith.index_cast %add3A_187 : i32 to index
        %get3A_189 = tpu.vector_load %arg6[%get3A_188] {strides = array<i32>} : memref<4096xi32, #tpu.memory_space<vmem>>, vector<16xi32>,
        %add3A_190 = arith.constant 80 : i32
        %add3A_191 = arith.addi %mul3A_170, %add3A_190 : i32
        %get3A_192 = arith.index_cast %add3A_191 : i32 to index
        %get3A_193 = tpu.vector_load %arg6[%get3A_192] {strides = array<i32>} : memref<4096xi32, #tpu.memory_space<vmem>>, vector<16xi32>,
        %add3A_194 = arith.constant 96 : i32
        %add3A_195 = arith.addi %mul3A_170, %add3A_194 : i32
        %get3A_196 = arith.index_cast %add3A_195 : i32 to index
        %get3A_197 = tpu.vector_load %arg6[%get3A_196] {strides = array<i32>} : memref<4096xi32, #tpu.memory_space<vmem>>, vector<16xi32>,
        %add3A_198 = arith.constant 112 : i32
        %add3A_199 = arith.addi %mul3A_170, %add3A_198 : i32
        %get3A_200 = arith.index_cast %add3A_199 : i32 to index
        %get3A_201 = tpu.vector_load %arg6[%get3A_200] {strides = array<i32>} : memref<4096xi32, #tpu.memory_space<vmem>>, vector<16xi32>,
        %add3A_202 = arith.constant 128 : i32
        %add3A_203 = arith.addi %mul3A_170, %add3A_202 : i32
        %get3A_204 = arith.index_cast %add3A_203 : i32 to index
        %get3A_205 = tpu.vector_load %arg6[%get3A_204] {strides = array<i32>} : memref<4096xi32, #tpu.memory_space<vmem>>, vector<16xi32>,
        %add3A_206 = arith.constant 144 : i32
        %add3A_207 = arith.addi %mul3A_170, %add3A_206 : i32
        %get3A_208 = arith.index_cast %add3A_207 : i32 to index
        %get3A_209 = tpu.vector_load %arg6[%get3A_208] {strides = array<i32>} : memref<4096xi32, #tpu.memory_space<vmem>>, vector<16xi32>,
        %add3A_210 = arith.constant 160 : i32
        %add3A_211 = arith.addi %mul3A_170, %add3A_210 : i32
        %get3A_212 = arith.index_cast %add3A_211 : i32 to index
        %get3A_213 = tpu.vector_load %arg6[%get3A_212] {strides = array<i32>} : memref<4096xi32, #tpu.memory_space<vmem>>, vector<16xi32>,
        %add3A_214 = arith.constant 176 : i32
        %add3A_215 = arith.addi %mul3A_170, %add3A_214 : i32
        %get3A_216 = arith.index_cast %add3A_215 : i32 to index
        %get3A_217 = tpu.vector_load %arg6[%get3A_216] {strides = array<i32>} : memref<4096xi32, #tpu.memory_space<vmem>>, vector<16xi32>,
        %add3A_218 = arith.constant 192 : i32
        %add3A_219 = arith.addi %mul3A_170, %add3A_218 : i32
        %get3A_220 = arith.index_cast %add3A_219 : i32 to index
        %get3A_221 = tpu.vector_load %arg6[%get3A_220] {strides = array<i32>} : memref<4096xi32, #tpu.memory_space<vmem>>, vector<16xi32>,
        %add3A_222 = arith.constant 208 : i32
        %add3A_223 = arith.addi %mul3A_170, %add3A_222 : i32
        %get3A_224 = arith.index_cast %add3A_223 : i32 to index
        %get3A_225 = tpu.vector_load %arg6[%get3A_224] {strides = array<i32>} : memref<4096xi32, #tpu.memory_space<vmem>>, vector<16xi32>,
        %add3A_226 = arith.constant 224 : i32
        %add3A_227 = arith.addi %mul3A_170, %add3A_226 : i32
        %get3A_228 = arith.index_cast %add3A_227 : i32 to index
        %get3A_229 = tpu.vector_load %arg6[%get3A_228] {strides = array<i32>} : memref<4096xi32, #tpu.memory_space<vmem>>, vector<16xi32>,
        %add3A_230 = arith.constant 240 : i32
        %add3A_231 = arith.addi %mul3A_170, %add3A_230 : i32
        %get3A_232 = arith.index_cast %add3A_231 : i32 to index
        %get3A_233 = tpu.vector_load %arg6[%get3A_232] {strides = array<i32>} : memref<4096xi32, #tpu.memory_space<vmem>>, vector<16xi32>,
        %gather3A = tpu.vector_load_idx %arg5[%get3A_173] : memref<100000xf32, #tpu.memory_space<vmem>>[vector<16xi32>], vector<16xf32>,
        %gather3A_234 = tpu.vector_load_idx %arg5[%get3A_177] : memref<100000xf32, #tpu.memory_space<vmem>>[vector<16xi32>], vector<16xf32>,
        %gather3A_235 = tpu.vector_load_idx %arg5[%get3A_181] : memref<100000xf32, #tpu.memory_space<vmem>>[vector<16xi32>], vector<16xf32>,
        %gather3A_236 = tpu.vector_load_idx %arg5[%get3A_185] : memref<100000xf32, #tpu.memory_space<vmem>>[vector<16xi32>], vector<16xf32>,
        %gather3A_237 = tpu.vector_load_idx %arg5[%get3A_189] : memref<100000xf32, #tpu.memory_space<vmem>>[vector<16xi32>], vector<16xf32>,
        %gather3A_238 = tpu.vector_load_idx %arg5[%get3A_193] : memref<100000xf32, #tpu.memory_space<vmem>>[vector<16xi32>], vector<16xf32>,
        %gather3A_239 = tpu.vector_load_idx %arg5[%get3A_197] : memref<100000xf32, #tpu.memory_space<vmem>>[vector<16xi32>], vector<16xf32>,
        %gather3A_240 = tpu.vector_load_idx %arg5[%get3A_201] : memref<100000xf32, #tpu.memory_space<vmem>>[vector<16xi32>], vector<16xf32>,
        %gather3A_241 = tpu.vector_load_idx %arg5[%get3A_205] : memref<100000xf32, #tpu.memory_space<vmem>>[vector<16xi32>], vector<16xf32>,
        %gather3A_242 = tpu.vector_load_idx %arg5[%get3A_209] : memref<100000xf32, #tpu.memory_space<vmem>>[vector<16xi32>], vector<16xf32>,
        %gather3A_243 = tpu.vector_load_idx %arg5[%get3A_213] : memref<100000xf32, #tpu.memory_space<vmem>>[vector<16xi32>], vector<16xf32>,
        %gather3A_244 = tpu.vector_load_idx %arg5[%get3A_217] : memref<100000xf32, #tpu.memory_space<vmem>>[vector<16xi32>], vector<16xf32>,
        %gather3A_245 = tpu.vector_load_idx %arg5[%get3A_221] : memref<100000xf32, #tpu.memory_space<vmem>>[vector<16xi32>], vector<16xf32>,
        %gather3A_246 = tpu.vector_load_idx %arg5[%get3A_225] : memref<100000xf32, #tpu.memory_space<vmem>>[vector<16xi32>], vector<16xf32>,
        %gather3A_247 = tpu.vector_load_idx %arg5[%get3A_229] : memref<100000xf32, #tpu.memory_space<vmem>>[vector<16xi32>], vector<16xf32>,
        %gather3A_248 = tpu.vector_load_idx %arg5[%get3A_233] : memref<100000xf32, #tpu.memory_space<vmem>>[vector<16xi32>], vector<16xf32>,
        %add3A_249 = arith.constant 0 : i32
        %add3A_250 = arith.addi %mul3A_170, %add3A_249 : i32
        %swap3A = arith.index_cast %add3A_250 : i32 to index
        %swap3A_251 = tpu.vector_load %arg8[%swap3A] {strides = array<i32>} : memref<4096xf32, #tpu.memory_space<vmem>>, vector<16xf32>,
        tpu.vector_store %arg8[%swap3A], %gather3A {strides = array<i32>} : memref<4096xf32, #tpu.memory_space<vmem>>, vector<16xf32>,
        %add3A_252 = arith.constant 16 : i32
        %add3A_253 = arith.addi %mul3A_170, %add3A_252 : i32
        %swap3A_254 = arith.index_cast %add3A_253 : i32 to index
        %swap3A_255 = tpu.vector_load %arg8[%swap3A_254] {strides = array<i32>} : memref<4096xf32, #tpu.memory_space<vmem>>, vector<16xf32>,
        tpu.vector_store %arg8[%swap3A_254], %gather3A_234 {strides = array<i32>} : memref<4096xf32, #tpu.memory_space<vmem>>, vector<16xf32>,
        %add3A_256 = arith.constant 32 : i32
        %add3A_257 = arith.addi %mul3A_170, %add3A_256 : i32
        %swap3A_258 = arith.index_cast %add3A_257 : i32 to index
        %swap3A_259 = tpu.vector_load %arg8[%swap3A_258] {strides = array<i32>} : memref<4096xf32, #tpu.memory_space<vmem>>, vector<16xf32>,
        tpu.vector_store %arg8[%swap3A_258], %gather3A_235 {strides = array<i32>} : memref<4096xf32, #tpu.memory_space<vmem>>, vector<16xf32>,
        %add3A_260 = arith.constant 48 : i32
        %add3A_261 = arith.addi %mul3A_170, %add3A_260 : i32
        %swap3A_262 = arith.index_cast %add3A_261 : i32 to index
        %swap3A_263 = tpu.vector_load %arg8[%swap3A_262] {strides = array<i32>} : memref<4096xf32, #tpu.memory_space<vmem>>, vector<16xf32>,
        tpu.vector_store %arg8[%swap3A_262], %gather3A_236 {strides = array<i32>} : memref<4096xf32, #tpu.memory_space<vmem>>, vector<16xf32>,
        %add3A_264 = arith.constant 64 : i32
        %add3A_265 = arith.addi %mul3A_170, %add3A_264 : i32
        %swap3A_266 = arith.index_cast %add3A_265 : i32 to index
        %swap3A_267 = tpu.vector_load %arg8[%swap3A_266] {strides = array<i32>} : memref<4096xf32, #tpu.memory_space<vmem>>, vector<16xf32>,
        tpu.vector_store %arg8[%swap3A_266], %gather3A_237 {strides = array<i32>} : memref<4096xf32, #tpu.memory_space<vmem>>, vector<16xf32>,
        %add3A_268 = arith.constant 80 : i32
        %add3A_269 = arith.addi %mul3A_170, %add3A_268 : i32
        %swap3A_270 = arith.index_cast %add3A_269 : i32 to index
        %swap3A_271 = tpu.vector_load %arg8[%swap3A_270] {strides = array<i32>} : memref<4096xf32, #tpu.memory_space<vmem>>, vector<16xf32>,
        tpu.vector_store %arg8[%swap3A_270], %gather3A_238 {strides = array<i32>} : memref<4096xf32, #tpu.memory_space<vmem>>, vector<16xf32>,
        %add3A_272 = arith.constant 96 : i32
        %add3A_273 = arith.addi %mul3A_170, %add3A_272 : i32
        %swap3A_274 = arith.index_cast %add3A_273 : i32 to index
        %swap3A_275 = tpu.vector_load %arg8[%swap3A_274] {strides = array<i32>} : memref<4096xf32, #tpu.memory_space<vmem>>, vector<16xf32>,
        tpu.vector_store %arg8[%swap3A_274], %gather3A_239 {strides = array<i32>} : memref<4096xf32, #tpu.memory_space<vmem>>, vector<16xf32>,
        %add3A_276 = arith.constant 112 : i32
        %add3A_277 = arith.addi %mul3A_170, %add3A_276 : i32
        %swap3A_278 = arith.index_cast %add3A_277 : i32 to index
        %swap3A_279 = tpu.vector_load %arg8[%swap3A_278] {strides = array<i32>} : memref<4096xf32, #tpu.memory_space<vmem>>, vector<16xf32>,
        tpu.vector_store %arg8[%swap3A_278], %gather3A_240 {strides = array<i32>} : memref<4096xf32, #tpu.memory_space<vmem>>, vector<16xf32>,
        %add3A_280 = arith.constant 128 : i32
        %add3A_281 = arith.addi %mul3A_170, %add3A_280 : i32
        %swap3A_282 = arith.index_cast %add3A_281 : i32 to index
        %swap3A_283 = tpu.vector_load %arg8[%swap3A_282] {strides = array<i32>} : memref<4096xf32, #tpu.memory_space<vmem>>, vector<16xf32>,
        tpu.vector_store %arg8[%swap3A_282], %gather3A_241 {strides = array<i32>} : memref<4096xf32, #tpu.memory_space<vmem>>, vector<16xf32>,
        %add3A_284 = arith.constant 144 : i32
        %add3A_285 = arith.addi %mul3A_170, %add3A_284 : i32
        %swap3A_286 = arith.index_cast %add3A_285 : i32 to index
        %swap3A_287 = tpu.vector_load %arg8[%swap3A_286] {strides = array<i32>} : memref<4096xf32, #tpu.memory_space<vmem>>, vector<16xf32>,
        tpu.vector_store %arg8[%swap3A_286], %gather3A_242 {strides = array<i32>} : memref<4096xf32, #tpu.memory_space<vmem>>, vector<16xf32>,
        %add3A_288 = arith.constant 160 : i32
        %add3A_289 = arith.addi %mul3A_170, %add3A_288 : i32
        %swap3A_290 = arith.index_cast %add3A_289 : i32 to index
        %swap3A_291 = tpu.vector_load %arg8[%swap3A_290] {strides = array<i32>} : memref<4096xf32, #tpu.memory_space<vmem>>, vector<16xf32>,
        tpu.vector_store %arg8[%swap3A_290], %gather3A_243 {strides = array<i32>} : memref<4096xf32, #tpu.memory_space<vmem>>, vector<16xf32>,
        %add3A_292 = arith.constant 176 : i32
        %add3A_293 = arith.addi %mul3A_170, %add3A_292 : i32
        %swap3A_294 = arith.index_cast %add3A_293 : i32 to index
        %swap3A_295 = tpu.vector_load %arg8[%swap3A_294] {strides = array<i32>} : memref<4096xf32, #tpu.memory_space<vmem>>, vector<16xf32>,
        tpu.vector_store %arg8[%swap3A_294], %gather3A_244 {strides = array<i32>} : memref<4096xf32, #tpu.memory_space<vmem>>, vector<16xf32>,
        %add3A_296 = arith.constant 192 : i32
        %add3A_297 = arith.addi %mul3A_170, %add3A_296 : i32
        %swap3A_298 = arith.index_cast %add3A_297 : i32 to index
        %swap3A_299 = tpu.vector_load %arg8[%swap3A_298] {strides = array<i32>} : memref<4096xf32, #tpu.memory_space<vmem>>, vector<16xf32>,
        tpu.vector_store %arg8[%swap3A_298], %gather3A_245 {strides = array<i32>} : memref<4096xf32, #tpu.memory_space<vmem>>, vector<16xf32>,
        %add3A_300 = arith.constant 208 : i32
        %add3A_301 = arith.addi %mul3A_170, %add3A_300 : i32
        %swap3A_302 = arith.index_cast %add3A_301 : i32 to index
        %swap3A_303 = tpu.vector_load %arg8[%swap3A_302] {strides = array<i32>} : memref<4096xf32, #tpu.memory_space<vmem>>, vector<16xf32>,
        tpu.vector_store %arg8[%swap3A_302], %gather3A_246 {strides = array<i32>} : memref<4096xf32, #tpu.memory_space<vmem>>, vector<16xf32>,
        %add3A_304 = arith.constant 224 : i32
        %add3A_305 = arith.addi %mul3A_170, %add3A_304 : i32
        %swap3A_306 = arith.index_cast %add3A_305 : i32 to index
        %swap3A_307 = tpu.vector_load %arg8[%swap3A_306] {strides = array<i32>} : memref<4096xf32, #tpu.memory_space<vmem>>, vector<16xf32>,
        tpu.vector_store %arg8[%swap3A_306], %gather3A_247 {strides = array<i32>} : memref<4096xf32, #tpu.memory_space<vmem>>, vector<16xf32>,
        %add3A_308 = arith.constant 240 : i32
        %add3A_309 = arith.addi %mul3A_170, %add3A_308 : i32
        %swap3A_310 = arith.index_cast %add3A_309 : i32 to index
        %swap3A_311 = tpu.vector_load %arg8[%swap3A_310] {strides = array<i32>} : memref<4096xf32, #tpu.memory_space<vmem>>, vector<16xf32>,
        tpu.vector_store %arg8[%swap3A_310], %gather3A_248 {strides = array<i32>} : memref<4096xf32, #tpu.memory_space<vmem>>, vector<16xf32>,
      }
      %scan3A_126 = arith.constant 16 : i32
      %dma_start3A_127 = arith.constant 8192 : i32
      %dma_start3A_128 = tpu.memref_slice %arg4[%scan3A_32, %add3A, %dma_start3A_127] : memref<26x32x16384xf32, #tpu.memory_space<hbm>> -> memref<1x1x4096xf32, #tpu.memory_space<hbm>>
      %dma_start3A_129 = tpu.memref_squeeze %dma_start3A_128 : memref<1x1x4096xf32, #tpu.memory_space<hbm>> -> memref<4096xf32, #tpu.memory_space<hbm>>
      %dma_start3A_130 = arith.constant 8192 : i32
      %dma_start3A_131 = tpu.memref_slice %arg4[%scan3A_32, %add3A, %dma_start3A_130] : memref<26x32x16384xf32, #tpu.memory_space<hbm>> -> memref<1x1x4096xf32, #tpu.memory_space<hbm>>
      %dma_start3A_132 = tpu.memref_squeeze %dma_start3A_131 : memref<1x1x4096xf32, #tpu.memory_space<hbm>> -> memref<4096xf32, #tpu.memory_space<hbm>>
      tpu.enqueue_dma source(%arg8 : memref<4096xf32, #tpu.memory_space<vmem>>) target(%dma_start3A_132 : memref<4096xf32, #tpu.memory_space<hbm>>) target_semaphore(%arg12 : memref<!tpu.dma_semaphore, #tpu.memory_space<semaphore_mem>>)
      %dma_wait3A_133 = arith.constant 0 : i32
      %dma_wait3A_134 = arith.constant 0 : i32
      %dma_wait3A_135 = tpu.memref_slice %arg2[%dma_wait3A_133, %dma_wait3A_134] : memref<26x16384xi32, #tpu.memory_space<hbm>> -> memref<1x4096xi32, #tpu.memory_space<hbm>>
      %dma_wait3A_136 = tpu.memref_squeeze %dma_wait3A_135 : memref<1x4096xi32, #tpu.memory_space<hbm>> -> memref<4096xi32, #tpu.memory_space<hbm>>
      %dma_wait3A_137 = arith.constant 0 : i32
      %dma_wait3A_138 = tpu.memref_slice %arg2[%dma_wait3A_133, %dma_wait3A_137] : memref<26x16384xi32, #tpu.memory_space<hbm>> -> memref<1x4096xi32, #tpu.memory_space<hbm>>
      %dma_wait3A_139 = tpu.memref_squeeze %dma_wait3A_138 : memref<1x4096xi32, #tpu.memory_space<hbm>> -> memref<4096xi32, #tpu.memory_space<hbm>>
      tpu.wait_dma2 semaphore(%arg11 : memref<!tpu.dma_semaphore, #tpu.memory_space<semaphore_mem>>) src(%dma_wait3A_139 : memref<4096xi32, #tpu.memory_space<hbm>>) dst(%arg7 : memref<4096xi32, #tpu.memory_space<vmem>>)
      %lt3A = arith.constant 25 : i32
      %lt3A_140 = arith.cmpi slt, %scan3A_32, %lt3A : i32
      %convert_element_type3A_141 = arith.extui %lt3A_140 : i1 to i32
      %cond3A_142 = arith.constant 0 : i32
      %cond3A_143 = arith.cmpi ne, %convert_element_type3A_141, %cond3A_142 : i32
      scf.if %cond3A_143 {
        %add3A_168 = arith.constant 1 : i32
        %add3A_169 = arith.addi %scan3A_32, %add3A_168 : i32
        %dma_start3A_170 = arith.constant 0 : i32
        %dma_start3A_171 = tpu.memref_slice %arg2[%add3A_169, %dma_start3A_170] : memref<26x16384xi32, #tpu.memory_space<hbm>> -> memref<1x4096xi32, #tpu.memory_space<hbm>>
        %dma_start3A_172 = tpu.memref_squeeze %dma_start3A_171 : memref<1x4096xi32, #tpu.memory_space<hbm>> -> memref<4096xi32, #tpu.memory_space<hbm>>
        %dma_start3A_173 = arith.constant 0 : i32
        %dma_start3A_174 = tpu.memref_slice %arg2[%add3A_169, %dma_start3A_173] : memref<26x16384xi32, #tpu.memory_space<hbm>> -> memref<1x4096xi32, #tpu.memory_space<hbm>>
        %dma_start3A_175 = tpu.memref_squeeze %dma_start3A_174 : memref<1x4096xi32, #tpu.memory_space<hbm>> -> memref<4096xi32, #tpu.memory_space<hbm>>
        tpu.enqueue_dma source(%dma_start3A_175 : memref<4096xi32, #tpu.memory_space<hbm>>) target(%arg6 : memref<4096xi32, #tpu.memory_space<vmem>>) target_semaphore(%arg11 : memref<!tpu.dma_semaphore, #tpu.memory_space<semaphore_mem>>)
      } else {
      }
      %gt3A_144 = arith.constant 0 : i32
      %gt3A_145 = arith.cmpi sgt, %scan3A_32, %gt3A_144 : i32
      %or3A_146 = arith.constant true
      %or3A_147 = arith.ori %gt3A_145, %or3A_146 : i1
      %convert_element_type3A_148 = arith.extui %or3A_147 : i1 to i32
      %cond3A_149 = arith.constant 0 : i32
      %cond3A_150 = arith.cmpi ne, %convert_element_type3A_148, %cond3A_149 : i32
      scf.if %cond3A_150 {
        %dma_wait3A_168 = arith.constant 0 : i32
        %dma_wait3A_169 = arith.constant 0 : i32
        %dma_wait3A_170 = tpu.memref_slice %arg4[%dma_wait3A_168, %add3A, %dma_wait3A_169] : memref<26x32x16384xf32, #tpu.memory_space<hbm>> -> memref<1x1x4096xf32, #tpu.memory_space<hbm>>
        %dma_wait3A_171 = tpu.memref_squeeze %dma_wait3A_170 : memref<1x1x4096xf32, #tpu.memory_space<hbm>> -> memref<4096xf32, #tpu.memory_space<hbm>>
        %dma_wait3A_172 = arith.constant 0 : i32
        %dma_wait3A_173 = tpu.memref_slice %arg4[%dma_wait3A_168, %add3A, %dma_wait3A_172] : memref<26x32x16384xf32, #tpu.memory_space<hbm>> -> memref<1x1x4096xf32, #tpu.memory_space<hbm>>
        %dma_wait3A_174 = tpu.memref_squeeze %dma_wait3A_173 : memref<1x1x4096xf32, #tpu.memory_space<hbm>> -> memref<4096xf32, #tpu.memory_space<hbm>>
        tpu.wait_dma2 semaphore(%arg12 : memref<!tpu.dma_semaphore, #tpu.memory_space<semaphore_mem>>) src(%arg9 : memref<4096xf32, #tpu.memory_space<vmem>>) dst(%dma_wait3A_174 : memref<4096xf32, #tpu.memory_space<hbm>>)
      } else {
      }
      %scan3A_151 = arith.constant 0 : i32
      %scan3A_152 = arith.constant 0 : i32
      %scan3A_153 = arith.constant 16 : i32
      %scan3A_154 = arith.addi %scan3A_152, %scan3A_153 : i32
      %scan3A_155 = arith.constant 1 : i32
      scf.for %scan3A_168 = %scan3A_152 to %scan3A_154 step %scan3A_155  : i32 {
        %mul3A_169 = arith.constant 256 : i32
        %mul3A_170 = arith.muli %scan3A_168, %mul3A_169 : i32
        %add3A_171 = arith.constant 0 : i32
        %add3A_172 = arith.addi %mul3A_170, %add3A_171 : i32
        %get3A = arith.index_cast %add3A_172 : i32 to index
        %get3A_173 = tpu.vector_load %arg7[%get3A] {strides = array<i32>} : memref<4096xi32, #tpu.memory_space<vmem>>, vector<16xi32>,
        %add3A_174 = arith.constant 16 : i32
        %add3A_175 = arith.addi %mul3A_170, %add3A_174 : i32
        %get3A_176 = arith.index_cast %add3A_175 : i32 to index
        %get3A_177 = tpu.vector_load %arg7[%get3A_176] {strides = array<i32>} : memref<4096xi32, #tpu.memory_space<vmem>>, vector<16xi32>,
        %add3A_178 = arith.constant 32 : i32
        %add3A_179 = arith.addi %mul3A_170, %add3A_178 : i32
        %get3A_180 = arith.index_cast %add3A_179 : i32 to index
        %get3A_181 = tpu.vector_load %arg7[%get3A_180] {strides = array<i32>} : memref<4096xi32, #tpu.memory_space<vmem>>, vector<16xi32>,
        %add3A_182 = arith.constant 48 : i32
        %add3A_183 = arith.addi %mul3A_170, %add3A_182 : i32
        %get3A_184 = arith.index_cast %add3A_183 : i32 to index
        %get3A_185 = tpu.vector_load %arg7[%get3A_184] {strides = array<i32>} : memref<4096xi32, #tpu.memory_space<vmem>>, vector<16xi32>,
        %add3A_186 = arith.constant 64 : i32
        %add3A_187 = arith.addi %mul3A_170, %add3A_186 : i32
        %get3A_188 = arith.index_cast %add3A_187 : i32 to index
        %get3A_189 = tpu.vector_load %arg7[%get3A_188] {strides = array<i32>} : memref<4096xi32, #tpu.memory_space<vmem>>, vector<16xi32>,
        %add3A_190 = arith.constant 80 : i32
        %add3A_191 = arith.addi %mul3A_170, %add3A_190 : i32
        %get3A_192 = arith.index_cast %add3A_191 : i32 to index
        %get3A_193 = tpu.vector_load %arg7[%get3A_192] {strides = array<i32>} : memref<4096xi32, #tpu.memory_space<vmem>>, vector<16xi32>,
        %add3A_194 = arith.constant 96 : i32
        %add3A_195 = arith.addi %mul3A_170, %add3A_194 : i32
        %get3A_196 = arith.index_cast %add3A_195 : i32 to index
        %get3A_197 = tpu.vector_load %arg7[%get3A_196] {strides = array<i32>} : memref<4096xi32, #tpu.memory_space<vmem>>, vector<16xi32>,
        %add3A_198 = arith.constant 112 : i32
        %add3A_199 = arith.addi %mul3A_170, %add3A_198 : i32
        %get3A_200 = arith.index_cast %add3A_199 : i32 to index
        %get3A_201 = tpu.vector_load %arg7[%get3A_200] {strides = array<i32>} : memref<4096xi32, #tpu.memory_space<vmem>>, vector<16xi32>,
        %add3A_202 = arith.constant 128 : i32
        %add3A_203 = arith.addi %mul3A_170, %add3A_202 : i32
        %get3A_204 = arith.index_cast %add3A_203 : i32 to index
        %get3A_205 = tpu.vector_load %arg7[%get3A_204] {strides = array<i32>} : memref<4096xi32, #tpu.memory_space<vmem>>, vector<16xi32>,
        %add3A_206 = arith.constant 144 : i32
        %add3A_207 = arith.addi %mul3A_170, %add3A_206 : i32
        %get3A_208 = arith.index_cast %add3A_207 : i32 to index
        %get3A_209 = tpu.vector_load %arg7[%get3A_208] {strides = array<i32>} : memref<4096xi32, #tpu.memory_space<vmem>>, vector<16xi32>,
        %add3A_210 = arith.constant 160 : i32
        %add3A_211 = arith.addi %mul3A_170, %add3A_210 : i32
        %get3A_212 = arith.index_cast %add3A_211 : i32 to index
        %get3A_213 = tpu.vector_load %arg7[%get3A_212] {strides = array<i32>} : memref<4096xi32, #tpu.memory_space<vmem>>, vector<16xi32>,
        %add3A_214 = arith.constant 176 : i32
        %add3A_215 = arith.addi %mul3A_170, %add3A_214 : i32
        %get3A_216 = arith.index_cast %add3A_215 : i32 to index
        %get3A_217 = tpu.vector_load %arg7[%get3A_216] {strides = array<i32>} : memref<4096xi32, #tpu.memory_space<vmem>>, vector<16xi32>,
        %add3A_218 = arith.constant 192 : i32
        %add3A_219 = arith.addi %mul3A_170, %add3A_218 : i32
        %get3A_220 = arith.index_cast %add3A_219 : i32 to index
        %get3A_221 = tpu.vector_load %arg7[%get3A_220] {strides = array<i32>} : memref<4096xi32, #tpu.memory_space<vmem>>, vector<16xi32>,
        %add3A_222 = arith.constant 208 : i32
        %add3A_223 = arith.addi %mul3A_170, %add3A_222 : i32
        %get3A_224 = arith.index_cast %add3A_223 : i32 to index
        %get3A_225 = tpu.vector_load %arg7[%get3A_224] {strides = array<i32>} : memref<4096xi32, #tpu.memory_space<vmem>>, vector<16xi32>,
        %add3A_226 = arith.constant 224 : i32
        %add3A_227 = arith.addi %mul3A_170, %add3A_226 : i32
        %get3A_228 = arith.index_cast %add3A_227 : i32 to index
        %get3A_229 = tpu.vector_load %arg7[%get3A_228] {strides = array<i32>} : memref<4096xi32, #tpu.memory_space<vmem>>, vector<16xi32>,
        %add3A_230 = arith.constant 240 : i32
        %add3A_231 = arith.addi %mul3A_170, %add3A_230 : i32
        %get3A_232 = arith.index_cast %add3A_231 : i32 to index
        %get3A_233 = tpu.vector_load %arg7[%get3A_232] {strides = array<i32>} : memref<4096xi32, #tpu.memory_space<vmem>>, vector<16xi32>,
        %gather3A = tpu.vector_load_idx %arg5[%get3A_173] : memref<100000xf32, #tpu.memory_space<vmem>>[vector<16xi32>], vector<16xf32>,
        %gather3A_234 = tpu.vector_load_idx %arg5[%get3A_177] : memref<100000xf32, #tpu.memory_space<vmem>>[vector<16xi32>], vector<16xf32>,
        %gather3A_235 = tpu.vector_load_idx %arg5[%get3A_181] : memref<100000xf32, #tpu.memory_space<vmem>>[vector<16xi32>], vector<16xf32>,
        %gather3A_236 = tpu.vector_load_idx %arg5[%get3A_185] : memref<100000xf32, #tpu.memory_space<vmem>>[vector<16xi32>], vector<16xf32>,
        %gather3A_237 = tpu.vector_load_idx %arg5[%get3A_189] : memref<100000xf32, #tpu.memory_space<vmem>>[vector<16xi32>], vector<16xf32>,
        %gather3A_238 = tpu.vector_load_idx %arg5[%get3A_193] : memref<100000xf32, #tpu.memory_space<vmem>>[vector<16xi32>], vector<16xf32>,
        %gather3A_239 = tpu.vector_load_idx %arg5[%get3A_197] : memref<100000xf32, #tpu.memory_space<vmem>>[vector<16xi32>], vector<16xf32>,
        %gather3A_240 = tpu.vector_load_idx %arg5[%get3A_201] : memref<100000xf32, #tpu.memory_space<vmem>>[vector<16xi32>], vector<16xf32>,
        %gather3A_241 = tpu.vector_load_idx %arg5[%get3A_205] : memref<100000xf32, #tpu.memory_space<vmem>>[vector<16xi32>], vector<16xf32>,
        %gather3A_242 = tpu.vector_load_idx %arg5[%get3A_209] : memref<100000xf32, #tpu.memory_space<vmem>>[vector<16xi32>], vector<16xf32>,
        %gather3A_243 = tpu.vector_load_idx %arg5[%get3A_213] : memref<100000xf32, #tpu.memory_space<vmem>>[vector<16xi32>], vector<16xf32>,
        %gather3A_244 = tpu.vector_load_idx %arg5[%get3A_217] : memref<100000xf32, #tpu.memory_space<vmem>>[vector<16xi32>], vector<16xf32>,
        %gather3A_245 = tpu.vector_load_idx %arg5[%get3A_221] : memref<100000xf32, #tpu.memory_space<vmem>>[vector<16xi32>], vector<16xf32>,
        %gather3A_246 = tpu.vector_load_idx %arg5[%get3A_225] : memref<100000xf32, #tpu.memory_space<vmem>>[vector<16xi32>], vector<16xf32>,
        %gather3A_247 = tpu.vector_load_idx %arg5[%get3A_229] : memref<100000xf32, #tpu.memory_space<vmem>>[vector<16xi32>], vector<16xf32>,
        %gather3A_248 = tpu.vector_load_idx %arg5[%get3A_233] : memref<100000xf32, #tpu.memory_space<vmem>>[vector<16xi32>], vector<16xf32>,
        %add3A_249 = arith.constant 0 : i32
        %add3A_250 = arith.addi %mul3A_170, %add3A_249 : i32
        %swap3A = arith.index_cast %add3A_250 : i32 to index
        %swap3A_251 = tpu.vector_load %arg9[%swap3A] {strides = array<i32>} : memref<4096xf32, #tpu.memory_space<vmem>>, vector<16xf32>,
        tpu.vector_store %arg9[%swap3A], %gather3A {strides = array<i32>} : memref<4096xf32, #tpu.memory_space<vmem>>, vector<16xf32>,
        %add3A_252 = arith.constant 16 : i32
        %add3A_253 = arith.addi %mul3A_170, %add3A_252 : i32
        %swap3A_254 = arith.index_cast %add3A_253 : i32 to index
        %swap3A_255 = tpu.vector_load %arg9[%swap3A_254] {strides = array<i32>} : memref<4096xf32, #tpu.memory_space<vmem>>, vector<16xf32>,
        tpu.vector_store %arg9[%swap3A_254], %gather3A_234 {strides = array<i32>} : memref<4096xf32, #tpu.memory_space<vmem>>, vector<16xf32>,
        %add3A_256 = arith.constant 32 : i32
        %add3A_257 = arith.addi %mul3A_170, %add3A_256 : i32
        %swap3A_258 = arith.index_cast %add3A_257 : i32 to index
        %swap3A_259 = tpu.vector_load %arg9[%swap3A_258] {strides = array<i32>} : memref<4096xf32, #tpu.memory_space<vmem>>, vector<16xf32>,
        tpu.vector_store %arg9[%swap3A_258], %gather3A_235 {strides = array<i32>} : memref<4096xf32, #tpu.memory_space<vmem>>, vector<16xf32>,
        %add3A_260 = arith.constant 48 : i32
        %add3A_261 = arith.addi %mul3A_170, %add3A_260 : i32
        %swap3A_262 = arith.index_cast %add3A_261 : i32 to index
        %swap3A_263 = tpu.vector_load %arg9[%swap3A_262] {strides = array<i32>} : memref<4096xf32, #tpu.memory_space<vmem>>, vector<16xf32>,
        tpu.vector_store %arg9[%swap3A_262], %gather3A_236 {strides = array<i32>} : memref<4096xf32, #tpu.memory_space<vmem>>, vector<16xf32>,
        %add3A_264 = arith.constant 64 : i32
        %add3A_265 = arith.addi %mul3A_170, %add3A_264 : i32
        %swap3A_266 = arith.index_cast %add3A_265 : i32 to index
        %swap3A_267 = tpu.vector_load %arg9[%swap3A_266] {strides = array<i32>} : memref<4096xf32, #tpu.memory_space<vmem>>, vector<16xf32>,
        tpu.vector_store %arg9[%swap3A_266], %gather3A_237 {strides = array<i32>} : memref<4096xf32, #tpu.memory_space<vmem>>, vector<16xf32>,
        %add3A_268 = arith.constant 80 : i32
        %add3A_269 = arith.addi %mul3A_170, %add3A_268 : i32
        %swap3A_270 = arith.index_cast %add3A_269 : i32 to index
        %swap3A_271 = tpu.vector_load %arg9[%swap3A_270] {strides = array<i32>} : memref<4096xf32, #tpu.memory_space<vmem>>, vector<16xf32>,
        tpu.vector_store %arg9[%swap3A_270], %gather3A_238 {strides = array<i32>} : memref<4096xf32, #tpu.memory_space<vmem>>, vector<16xf32>,
        %add3A_272 = arith.constant 96 : i32
        %add3A_273 = arith.addi %mul3A_170, %add3A_272 : i32
        %swap3A_274 = arith.index_cast %add3A_273 : i32 to index
        %swap3A_275 = tpu.vector_load %arg9[%swap3A_274] {strides = array<i32>} : memref<4096xf32, #tpu.memory_space<vmem>>, vector<16xf32>,
        tpu.vector_store %arg9[%swap3A_274], %gather3A_239 {strides = array<i32>} : memref<4096xf32, #tpu.memory_space<vmem>>, vector<16xf32>,
        %add3A_276 = arith.constant 112 : i32
        %add3A_277 = arith.addi %mul3A_170, %add3A_276 : i32
        %swap3A_278 = arith.index_cast %add3A_277 : i32 to index
        %swap3A_279 = tpu.vector_load %arg9[%swap3A_278] {strides = array<i32>} : memref<4096xf32, #tpu.memory_space<vmem>>, vector<16xf32>,
        tpu.vector_store %arg9[%swap3A_278], %gather3A_240 {strides = array<i32>} : memref<4096xf32, #tpu.memory_space<vmem>>, vector<16xf32>,
        %add3A_280 = arith.constant 128 : i32
        %add3A_281 = arith.addi %mul3A_170, %add3A_280 : i32
        %swap3A_282 = arith.index_cast %add3A_281 : i32 to index
        %swap3A_283 = tpu.vector_load %arg9[%swap3A_282] {strides = array<i32>} : memref<4096xf32, #tpu.memory_space<vmem>>, vector<16xf32>,
        tpu.vector_store %arg9[%swap3A_282], %gather3A_241 {strides = array<i32>} : memref<4096xf32, #tpu.memory_space<vmem>>, vector<16xf32>,
        %add3A_284 = arith.constant 144 : i32
        %add3A_285 = arith.addi %mul3A_170, %add3A_284 : i32
        %swap3A_286 = arith.index_cast %add3A_285 : i32 to index
        %swap3A_287 = tpu.vector_load %arg9[%swap3A_286] {strides = array<i32>} : memref<4096xf32, #tpu.memory_space<vmem>>, vector<16xf32>,
        tpu.vector_store %arg9[%swap3A_286], %gather3A_242 {strides = array<i32>} : memref<4096xf32, #tpu.memory_space<vmem>>, vector<16xf32>,
        %add3A_288 = arith.constant 160 : i32
        %add3A_289 = arith.addi %mul3A_170, %add3A_288 : i32
        %swap3A_290 = arith.index_cast %add3A_289 : i32 to index
        %swap3A_291 = tpu.vector_load %arg9[%swap3A_290] {strides = array<i32>} : memref<4096xf32, #tpu.memory_space<vmem>>, vector<16xf32>,
        tpu.vector_store %arg9[%swap3A_290], %gather3A_243 {strides = array<i32>} : memref<4096xf32, #tpu.memory_space<vmem>>, vector<16xf32>,
        %add3A_292 = arith.constant 176 : i32
        %add3A_293 = arith.addi %mul3A_170, %add3A_292 : i32
        %swap3A_294 = arith.index_cast %add3A_293 : i32 to index
        %swap3A_295 = tpu.vector_load %arg9[%swap3A_294] {strides = array<i32>} : memref<4096xf32, #tpu.memory_space<vmem>>, vector<16xf32>,
        tpu.vector_store %arg9[%swap3A_294], %gather3A_244 {strides = array<i32>} : memref<4096xf32, #tpu.memory_space<vmem>>, vector<16xf32>,
        %add3A_296 = arith.constant 192 : i32
        %add3A_297 = arith.addi %mul3A_170, %add3A_296 : i32
        %swap3A_298 = arith.index_cast %add3A_297 : i32 to index
        %swap3A_299 = tpu.vector_load %arg9[%swap3A_298] {strides = array<i32>} : memref<4096xf32, #tpu.memory_space<vmem>>, vector<16xf32>,
        tpu.vector_store %arg9[%swap3A_298], %gather3A_245 {strides = array<i32>} : memref<4096xf32, #tpu.memory_space<vmem>>, vector<16xf32>,
        %add3A_300 = arith.constant 208 : i32
        %add3A_301 = arith.addi %mul3A_170, %add3A_300 : i32
        %swap3A_302 = arith.index_cast %add3A_301 : i32 to index
        %swap3A_303 = tpu.vector_load %arg9[%swap3A_302] {strides = array<i32>} : memref<4096xf32, #tpu.memory_space<vmem>>, vector<16xf32>,
        tpu.vector_store %arg9[%swap3A_302], %gather3A_246 {strides = array<i32>} : memref<4096xf32, #tpu.memory_space<vmem>>, vector<16xf32>,
        %add3A_304 = arith.constant 224 : i32
        %add3A_305 = arith.addi %mul3A_170, %add3A_304 : i32
        %swap3A_306 = arith.index_cast %add3A_305 : i32 to index
        %swap3A_307 = tpu.vector_load %arg9[%swap3A_306] {strides = array<i32>} : memref<4096xf32, #tpu.memory_space<vmem>>, vector<16xf32>,
        tpu.vector_store %arg9[%swap3A_306], %gather3A_247 {strides = array<i32>} : memref<4096xf32, #tpu.memory_space<vmem>>, vector<16xf32>,
        %add3A_308 = arith.constant 240 : i32
        %add3A_309 = arith.addi %mul3A_170, %add3A_308 : i32
        %swap3A_310 = arith.index_cast %add3A_309 : i32 to index
        %swap3A_311 = tpu.vector_load %arg9[%swap3A_310] {strides = array<i32>} : memref<4096xf32, #tpu.memory_space<vmem>>, vector<16xf32>,
        tpu.vector_store %arg9[%swap3A_310], %gather3A_248 {strides = array<i32>} : memref<4096xf32, #tpu.memory_space<vmem>>, vector<16xf32>,
      }
      %scan3A_156 = arith.constant 16 : i32
      %dma_start3A_157 = arith.constant 12288 : i32
      %dma_start3A_158 = tpu.memref_slice %arg4[%scan3A_32, %add3A, %dma_start3A_157] : memref<26x32x16384xf32, #tpu.memory_space<hbm>> -> memref<1x1x4096xf32, #tpu.memory_space<hbm>>
      %dma_start3A_159 = tpu.memref_squeeze %dma_start3A_158 : memref<1x1x4096xf32, #tpu.memory_space<hbm>> -> memref<4096xf32, #tpu.memory_space<hbm>>
      %dma_start3A_160 = arith.constant 12288 : i32
      %dma_start3A_161 = tpu.memref_slice %arg4[%scan3A_32, %add3A, %dma_start3A_160] : memref<26x32x16384xf32, #tpu.memory_space<hbm>> -> memref<1x1x4096xf32, #tpu.memory_space<hbm>>
      %dma_start3A_162 = tpu.memref_squeeze %dma_start3A_161 : memref<1x1x4096xf32, #tpu.memory_space<hbm>> -> memref<4096xf32, #tpu.memory_space<hbm>>
      tpu.enqueue_dma source(%arg9 : memref<4096xf32, #tpu.memory_space<vmem>>) target(%dma_start3A_162 : memref<4096xf32, #tpu.memory_space<hbm>>) target_semaphore(%arg12 : memref<!tpu.dma_semaphore, #tpu.memory_space<semaphore_mem>>)
      %lt3A_163 = arith.constant 25 : i32
      %lt3A_164 = arith.cmpi slt, %scan3A_32, %lt3A_163 : i32
      %convert_element_type3A_165 = arith.extui %lt3A_164 : i1 to i32
      %cond3A_166 = arith.constant 0 : i32
      %cond3A_167 = arith.cmpi ne, %convert_element_type3A_165, %cond3A_166 : i32
      scf.if %cond3A_167 {
        %add3A_168 = arith.constant 1 : i32
        %add3A_169 = arith.addi %scan3A_32, %add3A_168 : i32
        %dma_start3A_170 = arith.constant 0 : i32
        %dma_start3A_171 = tpu.memref_slice %arg3[%add3A_169, %add3A, %dma_start3A_170] : memref<26x32x100000xf32, #tpu.memory_space<hbm>> -> memref<1x1x100000xf32, #tpu.memory_space<hbm>>
        %dma_start3A_172 = tpu.memref_squeeze %dma_start3A_171 : memref<1x1x100000xf32, #tpu.memory_space<hbm>> -> memref<100000xf32, #tpu.memory_space<hbm>>
        %dma_start3A_173 = arith.constant 0 : i32
        %dma_start3A_174 = tpu.memref_slice %arg3[%add3A_169, %add3A, %dma_start3A_173] : memref<26x32x100000xf32, #tpu.memory_space<hbm>> -> memref<1x1x100000xf32, #tpu.memory_space<hbm>>
        %dma_start3A_175 = tpu.memref_squeeze %dma_start3A_174 : memref<1x1x100000xf32, #tpu.memory_space<hbm>> -> memref<100000xf32, #tpu.memory_space<hbm>>
        tpu.enqueue_dma source(%dma_start3A_175 : memref<100000xf32, #tpu.memory_space<hbm>>) target(%arg5 : memref<100000xf32, #tpu.memory_space<vmem>>) target_semaphore(%arg10 : memref<!tpu.dma_semaphore, #tpu.memory_space<semaphore_mem>>)
      } else {
      }
    }
    %scan3A_18 = arith.constant 26 : i32
    %dma_wait3A = arith.constant 0 : i32
    %dma_wait3A_19 = arith.constant 0 : i32
    %dma_wait3A_20 = tpu.memref_slice %arg4[%dma_wait3A, %add3A, %dma_wait3A_19] : memref<26x32x16384xf32, #tpu.memory_space<hbm>> -> memref<1x1x4096xf32, #tpu.memory_space<hbm>>
    %dma_wait3A_21 = tpu.memref_squeeze %dma_wait3A_20 : memref<1x1x4096xf32, #tpu.memory_space<hbm>> -> memref<4096xf32, #tpu.memory_space<hbm>>
    %dma_wait3A_22 = arith.constant 0 : i32
    %dma_wait3A_23 = tpu.memref_slice %arg4[%dma_wait3A, %add3A, %dma_wait3A_22] : memref<26x32x16384xf32, #tpu.memory_space<hbm>> -> memref<1x1x4096xf32, #tpu.memory_space<hbm>>
    %dma_wait3A_24 = tpu.memref_squeeze %dma_wait3A_23 : memref<1x1x4096xf32, #tpu.memory_space<hbm>> -> memref<4096xf32, #tpu.memory_space<hbm>>
    tpu.wait_dma2 semaphore(%arg12 : memref<!tpu.dma_semaphore, #tpu.memory_space<semaphore_mem>>) src(%arg8 : memref<4096xf32, #tpu.memory_space<vmem>>) dst(%dma_wait3A_24 : memref<4096xf32, #tpu.memory_space<hbm>>)
    %dma_wait3A_25 = arith.constant 0 : i32
    %dma_wait3A_26 = arith.constant 0 : i32
    %dma_wait3A_27 = tpu.memref_slice %arg4[%dma_wait3A_25, %add3A, %dma_wait3A_26] : memref<26x32x16384xf32, #tpu.memory_space<hbm>> -> memref<1x1x4096xf32, #tpu.memory_space<hbm>>
    %dma_wait3A_28 = tpu.memref_squeeze %dma_wait3A_27 : memref<1x1x4096xf32, #tpu.memory_space<hbm>> -> memref<4096xf32, #tpu.memory_space<hbm>>
    %dma_wait3A_29 = arith.constant 0 : i32
    %dma_wait3A_30 = tpu.memref_slice %arg4[%dma_wait3A_25, %add3A, %dma_wait3A_29] : memref<26x32x16384xf32, #tpu.memory_space<hbm>> -> memref<1x1x4096xf32, #tpu.memory_space<hbm>>
    %dma_wait3A_31 = tpu.memref_squeeze %dma_wait3A_30 : memref<1x1x4096xf32, #tpu.memory_space<hbm>> -> memref<4096xf32, #tpu.memory_space<hbm>>
    tpu.wait_dma2 semaphore(%arg12 : memref<!tpu.dma_semaphore, #tpu.memory_space<semaphore_mem>>) src(%arg9 : memref<4096xf32, #tpu.memory_space<vmem>>) dst(%dma_wait3A_31 : memref<4096xf32, #tpu.memory_space<hbm>>)
    return
  }
}

</mosaic_0001>

<sc_bundles>
// kernel: kernel.3.cloned.1.call-start
scs
__scs_entry_jumppad:
0x0: {  	(pc) =	sbr.rel $0x88, $3  }
0x1: {  	(tag) =	ssettag $0x0;
	lr =	simm.s32 $0x1  }
0x2: {  	[smem:$0x3F9F] =	sst lr;
	_ =	strace $0xD0000000  }
0x3: {  	_ = 	snop  }
0x4: {  	_ = 	snop  }
0x5: {  	_ = 	snop  }
0x6: {  	_ = 	snop  }
0x7: {  	_ = 	snop  }
__scs_overlays_trampoline_lowered:
0x8: {  	[smem:$0x3FAE] =	sst s0  }
0x9: {  	[smem:$0x3FAF] =	sst s1  }
0xa: {  	[smem:$0x3FB0] =	sst s2  }
0xb: {  	[smem:$0x3FB1] =	sst s3  }
0xc: {  	[smem:$0x3FB2] =	sst s4  }
0xd: {  	[smem:$0x3FB3] =	sst s5  }
0xe: {  	[smem:$0x3FB4] =	sst s6  }
0xf: {  	[smem:$0x3FB5] =	sst s7  }
0x10: {  	[smem:$0x3FB6] =	sst s8  }
0x11: {  	[smem:$0x3FB7] =	sst s9;
	s0 =	simm.s32 @!p0 $0x0  }
0x12: {  	s1 =	sld [smem:$0x3F9D];
	s0 =	simm.s32 @p0 $0x1  }
0x13: {  	[smem:$0x3FB8] =	sst s0;
	s0 =	simm.s32 @!p1 $0x0  }
0x14: {  	s2 =	sld [smem:$0x3F9C];
	s0 =	simm.s32 @p1 $0x1  }
0x15: {  	[smem:$0x3FB9] =	sst s0;
	s0 =	simm.s32 @!p2 $0x0  }
0x16: {  	s3 =	sld [smem:$0x3FDB];
	s0 =	simm.s32 @p2 $0x1  }
0x17: {  	s4 =	simm.s32 $0x1BF5;
	[smem:$0x3FBB] =	sst s0  }
0x18: {  	s0 =	sld [smem:$0x3F9E];
	_ =	swait.ge [sflag:s4], $0x0  }
0x19: {  	s7 =	sld [smem:$0x3F9F]  }
0x1a: {  	s8 =	sadd.s32 $0xFFFFE003, lr  }
0x1b: {  	s9 =	sadd.s32 $0xFFFFFEF7, lr;
	s5 =	simm.s32 $0xFFFFFFFF;
	p2 =	slt.u32 s8, $0xFFFFF086  }
0x1c: {  	p1 =	slt.u32 s9, $0xF7A;
	s5 =	simm.s32 @!p2 $0x0  }
0x1d: {  	s5 =	simm.s32 @p1 $0x1;
	p0 =	seq.s32 s7, s2  }
0x1e: {  	s7 =	smul.u32 @!p0 $0xF7A, s2;
	p2 =	seq.s32 @!p0 s5, $0x0  }
0x1f: {  	s9 =	smul.u32 $0xF7A, s1;
	s8 =	simm.s32 @!p0 $0x1BF5;
	p2 =	por !p2, p0  }
0x20: {  	[sflag:s8] =	ssyncset.s32 @!p0 $0xFFFFF086;
	s6 =	sadd.s32 @!p0 s3, s7;
	s7 =	simm.s32 @!p0 $0x108  }
0x21: {  	s3 =	sadd.s32 s3, s9;
	s6 =	sadd.s32 @!p0 $0x88, s6;
	s7 =	simm.s32 @p2 $0x1082  }
0x22: {  	[simem:s7], [sflag:s8] =	dma.local @!p0 [hbm:s6], $0xF7A  }
0x23: {  	s9 =	sor.u32 $0xD0000000, s2;
	s6 =	simm.s32 $0x108;
	_ =	swait.ge @!p0 [sflag:s8], $0x0  }
0x24: {  	s3 =	sadd.s32 $0x88, s3;
	s6 =	simm.s32 @!p1 $0x1082;
	[sflag:s4] =	ssyncset.s32 $0xFFFFF086  }
0x25: {  	[simem:s6], [sflag:s4] =	dma.local [hbm:s3], $0xF7A  }
0x26: {  	[smem:$0x3F9F] =	sst s1;
	(tag) =	ssettag s2;
	_ =	strace s9  }
0x27: {  	s1 =	sld [smem:$0x3FAF]  }
0x28: {  	s2 =	sld [smem:$0x3FB0]  }
0x29: {  	s4 =	sld [smem:$0x3FB2]  }
0x2a: {  	p0 =	seq.s32 s5, $0x0;
	s5 =	sld [smem:$0x3FB3]  }
0x2b: {  	s6 =	sld [smem:$0x3FB4]  }
0x2c: {  	s7 =	sld [smem:$0x3FB5]  }
0x2d: {  	s3 =	simm.s32 $0x108;
	s8 =	sld [smem:$0x3FB6]  }
0x2e: {  	s3 =	simm.s32 @!p0 $0x1082;
	s9 =	sld [smem:$0x3FB7]  }
0x2f: {  	lr =	sadd.s32 s0, s3;
	s0 =	sld [smem:$0x3FAE]  }
0x30: {  	s3 =	sld [smem:$0x3FB1]  }
0x31: {  	[smem:$0x3FBA] =	sst s10  }
0x32: {  	s10 =	sld [smem:$0x3FB8];
	_ =	sdelay $0x3  }
0x33: {  	p0 =	seq.s32 s10, $0x1;
	s10 =	sld [smem:$0x3FBA];
	_ =	sdelay $0x3  }
0x34: {  	[smem:$0x3FBA] =	sst s10  }
0x35: {  	s10 =	sld [smem:$0x3FB9];
	_ =	sdelay $0x3  }
0x36: {  	p1 =	seq.s32 s10, $0x1;
	s10 =	sld [smem:$0x3FBA];
	_ =	sdelay $0x3  }
0x37: {  	[smem:$0x3FBA] =	sst s10  }
0x38: {  	s10 =	sld [smem:$0x3FBB]  }
0x39: {  	_ = 	snop;
	(pc) =	sbr.ind lr, $3  }
0x3a: {  	_ = 	snop  }
0x3b: {  	_ = 	snop  }
0x3c: {  	p2 =	seq.s32 s10, $0x1;
	s10 =	sld [smem:$0x3FBA]  }
0x3d: {  	_ =	shalt  }
0x3e: {  	_ =	shalt  }
0x3f: {  	_ =	shalt  }
0x40: {  	_ =	shalt  }
0x41: {  	_ =	shalt  }
0x42: {  	_ =	shalt  }
0x43: {  	_ =	shalt  }
0x44: {  	_ =	shalt  }
0x45: {  	_ =	shalt  }
0x46: {  	_ =	shalt  }
0x47: {  	_ =	shalt  }
0x48: {  	_ =	shalt  }
0x49: {  	_ =	shalt  }
0x4a: {  	_ =	shalt  }
0x4b: {  	_ =	shalt  }
0x4c: {  	_ =	shalt  }
0x4d: {  	_ =	shalt  }
0x4e: {  	_ =	shalt  }
0x4f: {  	_ =	shalt  }
0x50: {  	_ =	shalt  }
0x51: {  	_ =	shalt  }
0x52: {  	_ =	shalt  }
0x53: {  	_ =	shalt  }
0x54: {  	_ =	shalt  }
0x55: {  	_ =	shalt  }
0x56: {  	_ =	shalt  }
0x57: {  	_ =	shalt  }
0x58: {  	_ =	shalt  }
0x59: {  	_ =	shalt  }
0x5a: {  	_ =	shalt  }
0x5b: {  	_ =	shalt  }
0x5c: {  	_ =	shalt  }
0x5d: {  	_ =	shalt  }
0x5e: {  	_ =	shalt  }
0x5f: {  	_ =	shalt  }
0x60: {  	_ =	shalt  }
0x61: {  	_ =	shalt  }
0x62: {  	_ =	shalt  }
0x63: {  	_ =	shalt  }
0x64: {  	_ =	shalt  }
0x65: {  	_ =	shalt  }
0x66: {  	_ =	shalt  }
0x67: {  	_ =	shalt  }
0x68: {  	_ =	shalt  }
0x69: {  	_ =	shalt  }
0x6a: {  	_ =	shalt  }
0x6b: {  	_ =	shalt  }
0x6c: {  	_ =	shalt  }
0x6d: {  	_ =	shalt  }
0x6e: {  	_ =	shalt  }
0x6f: {  	_ =	shalt  }
0x70: {  	_ =	shalt  }
0x71: {  	_ =	shalt  }
0x72: {  	_ =	shalt  }
0x73: {  	_ =	shalt  }
0x74: {  	_ =	shalt  }
0x75: {  	_ =	shalt  }
0x76: {  	_ =	shalt  }
0x77: {  	_ =	shalt  }
0x78: {  	_ =	shalt  }
0x79: {  	_ =	shalt  }
0x7a: {  	_ =	shalt  }
0x7b: {  	_ =	shalt  }
0x7c: {  	_ =	shalt  }
0x7d: {  	_ =	shalt  }
0x7e: {  	_ =	shalt  }
0x7f: {  	_ =	shalt  }
0x80: {  	_ =	shalt  }
0x81: {  	_ =	shalt  }
0x82: {  	_ =	shalt  }
0x83: {  	_ =	shalt  }
0x84: {  	_ =	shalt  }
0x85: {  	_ =	shalt  }
0x86: {  	_ =	shalt  }
0x87: {  	_ =	shalt  }
.Lfunc_end0:
.L_simem_size_0:
called_computation_lowered:
.L_overlay_start_0:
0x88: {  	s2 =	sld [smem:$0x3FD9]  }
0x89: {  	s3 =	sld [smem:$0x3FFE];
	_ =	sdelay $0x1  }
0x8a: {  	s1 =	srdreg.scid  }
0x8b: {  	s0 =	sand.u32 $0x1, s1  }
0x8c: {  	s18 =	sshll.u32 s0, $0xA;
	s2 =	sadd.s32 s3, s2  }
0x8d: {  	s2 =	sadd.s32 s2, s18  }
0x8e: {  	[smem:$0x3FC6] =	sst s2  }
0x8f: {  	_ = 	snop  }
0x90: {  	s2 =	sld [smem:$0x3FC9]  }
0x91: {  	s19 =	sld [smem:$0x3FC8]  }
0x92: {  	s4 =	sld [smem:$0x3FD0];
	(tm) =	ssettm $0x1  }
0x93: {  	s5 =	sld [smem:$0x3FFB];
	_ =	sdelay $0x3  }
0x94: {  	_ =	strace s5  }
0x95: {  	s5 =	sld [smem:$0x3FFC];
	_ =	sdelay $0x3  }
0x96: {  	_ =	strace s5  }
0x97: {  	s5 =	sld [smem:$0x3FFD];
	_ =	sdelay $0x3  }
0x98: {  	_ =	strace s5  }
0x99: {  	_ =	strace $0x8FFFFFFF  }
0x9a: {  	s20 =	sld [smem:$0x3FDB];
	_ =	sdelay $0x1  }
0x9b: {  	s6 =	simm.s32 $_scs_section_size  }
0x9c: {  	s7 =	simm.s32 $_size__tile_overlayer_lowered;
	s8 =	simm.s32 $_tile_overlayer_lowered  }
0x9d: {  	s23 =	simm.s32 $0x1BFF;
	s22 =	sshll.u32 s8, $0x1;
	s5 =	sadd.s32 s6, s20  }
0x9e: {  	s9 =	simm.s32 $0x0;
	s21 =	sshll.u32 s7, $0x1;
	s7 =	sadd.s32 s22, s5  }
0x9f: {  	[timem:s9], [sflag:s23] =	dma.local [hbm:s7], s21  }
0xa0: {  	_ =	swait.ge [sflag:s23], s21  }
0xa1: {  	s6 =	ssub.s32 $0x0, s21;
	[sflag:s23] =	ssyncset.done $0x0  }
0xa2: {  	[sflag:s23] =	ssyncadd.s32 s6;
	_ =	sdelay $0x1  }
0xa3: {  	s24 =	simm.s32 $0x1B8B  }
0xa4: {  	_ =	swait.ge [sflag:s24], $0x1  }
0xa5: {  	[sflag:s24] =	ssyncset.done $0x0  }
0xa6: {  	s25 =	simm.s32 $0x1B8E;
	[sflag:s24] =	ssyncadd.s32 $0xFFFFFFFF  }
0xa7: {  	s26 =	simm.s32 $execute0_lowered;
	[smem:$0x3FD2] =	sst s25  }
0xa8: {  	s6 =	sshll.u32 s26, $0x1;
	_ =	strace $0x80000046;
	[dreg:$0x1] =	wrdreg $0xFFFFFFFF  }
0xa9: {  	s28 =	simm.s32 $_size_execute0_lowered;
	s5 =	sadd.s32 s5, s6;
	[dreg:$0x0] =	wrdreg $0x0  }
0xaa: {  	s6 =	sshll.u32 s28, $0x1;
	[dreg:$0x2] =	wrdreg s5  }
0xab: {  	[dreg:$0x3] =	wrdreg s6  }
0xac: {  	[dreg:$0x4] =	wrdreg $0xC0  }
0xad: {  	_ =	task [dreg:s9], $0x5FFFF  }
0xae: {  	[dreg:$0x1] =	wrdreg $0xFFFFFFFF  }
0xaf: {  	[dreg:$0x0] =	wrdreg $0x60  }
0xb0: {  	[dreg:$0x2] =	wrdreg s2  }
0xb1: {  	[dreg:$0x3] =	wrdreg s19  }
0xb2: {  	[dreg:$0x4] =	wrdreg s4  }
0xb3: {  	[dreg:$0x5] =	wrdreg $0x9  }
0xb4: {  	_ =	task.clear_ibuf [dreg:s9], $0x6FFFF;
	_ =	strace $0x90000046  }
0xb5: {  	s29 =	simm.s32 $0x9;
	_ =	strace $0x80000048  }
0xb6: {  	_ =	swait.ge [sflag:s29], $0x1  }
0xb7: {  	[sflag:s29] =	ssyncadd.s32 $0xFFFFFFFF  }
0xb8: {  	_ =	strace $0x90000048  }
0xb9: {  	_ =	sfence  }
0xba: {  	s30 =	sld [smem:$0x0];
	_ =	sdelay $0x2  }
0xbb: {  	s31 =	sshll.u32 s1, $0xD;
	s1 =	sshrl.u32 s1, $0x2  }
0xbc: {  	s3 =	sand.u32 $0x4000, s31;
	s1 =	sadd.s32 s1, s30  }
0xbd: {  	s0 =	sor.u32 s3, s0;
	s1 =	sshll.u32 s1, $0x11  }
0xbe: {  	s0 =	sor.u32 s1, s0  }
0xbf: {  	s0 =	sadd.s32 $0x8F2B, s0  }
0xc0: {  	[sflag:s0] =	ssyncadd.remote.s32 $0x1  }
0xc1: {  	_ =	sfence.sel $0xFFFF  }
0xc2: {  	[dreg:$0x0] =	wrdreg $0xFFFFFFFF;
	(pc) =	sbr.abs _section_cstart, $3  }
0xc3: {  	[dreg:$0x1] =	wrdreg $0xFFFFFFFF  }
0xc4: {  	_ =	task.clear_ibuf [dreg:s9], $0x2FFFF;
	_ =	strace $0x9FFFFFFF  }
0xc5: {  	(tm) =	ssettm $0x7FFFFFFF  }
tec
execute0_lowered:
.L_overlay_start_1:
0x0: {  	(tag) =	ssettag $0x1  }
0x1: {  	s1 =	rddreg [dreg:$0x0]  }
0x2: {  	s2 =	rddreg [dreg:$0x1]  }
0x3: {  	s3 =	rddreg [dreg:$0x2]  }
0x4: {  	s4 =	srdreg.scid;
	s0 =	stileid.u32  }
0x5: {  	s17 =	simm.s32 $0x80;
	s18 =	simm.s32 $0x400;
	s19 =	simm.s32 $0x18700  }
0x6: {  	s20 =	simm.s32 $0x1;
	s21 =	simm.s32 $0x2;
	s22 =	simm.s32 $0x19700  }
0x7: {  	s23 =	simm.s32 $0x1A700;
	s24 =	simm.s32 $0x1B700;
	s25 =	simm.s32 $0x3  }
0x8: {  	s26 =	simm.s32 $0x0;
	s4 =	sand.u32 $0x1, s4;
	s9 =	sshrl.u32 s0, $0x2  }
0x9: {  	s5 =	sshll.u32 s0, $0x8;
	s10 =	sadd.s32 $0x2000, s1;
	s11 =	sadd.s32 $0x1000, s3  }
0xa: {  	s12 =	sadd.s32 $0x3000, s1;
	s13 =	sadd.s32 $0x2000, s3;
	s14 =	sadd.s32 $0x3000, s3  }
0xb: {  	s7 =	smul.u32 $0xC3800, s9;
	s6 =	sshll.u32 s4, $0x7;
	s8 =	sand.u32 $0x300, s5  }
.Ltmp0:
0xc: {  	s5 =	simm.s32 $0x0;
	s4 =	ssub.s32 $0x2, s4;
	(pc) =	sbr.rel .LBB2_1-.Ltmp0, $4  }
0xd: {  	s9 =	sshll.u32 s9, $0x11;
	s6 =	sor.u32 s6, s8;
	[smem:$0x7FF] =	sst s5  }
0xe: {  	s30 =	sshrl.u32 s4, $0x1;
	s8 =	sadd.s32 $0x1000, s1;
	s15 =	sor.u32 s7, s6  }
0xf: {  	_ =	strace $0x80000047;
	s4 =	ssub.s32 s4, s30;
	s31 =	sshrl.u32 s15, $0x3  }
0x10: {  	s15 =	sadd.s32 $0x30E000, s15;
	s16 =	smax.u32 s4, $0x1;
	s7 =	sadd.s32 s2, s31  }
.LBB2_12:
0x11: {  	s26 =	sadd.s32 $0x1, s26  }
0x12: {  	_ =	swait.ge [sflag:s25], $0x1000;
	p0 =	sne.s32 s26, s16  }
.Ltmp1:
0x13: {  	[sflag:s25] =	ssyncset.done $0x0;
	(pc) =	sbr.rel @!p0 .LBB2_13-.Ltmp1, $4  }
0x14: {  	[sflag:s25] =	ssyncadd.s32 $0xFFFFF000  }
0x15: {  	_ =	swait.ge [sflag:s25], $0x1000  }
0x16: {  	[sflag:s25] =	ssyncset.done $0x0  }
0x17: {  	[sflag:s25] =	ssyncadd.s32 $0xFFFFF000  }
.LBB2_1:
0x18: {  	[tilespmem:s5], [sflag:$0x1] =	stream.strided.gather [hbm4b:s7+s17], $0x18700, s18, s17, $0x38;
	[tilespmem:$0x1C700] =	vst v63  }
0x19: {  	s28 =	simm.s32 $0x0  }
0x1a: {  	[tilespmem:s19], [sflag:$0x2] =	stream.strided.gather [hbm4b:s1+s17], $0x1000, s18, s17, $0x38;
	[tilespmem:$0x1C700] =	vst v63  }
.LBB2_2:
0x1b: {  	_ =	swait.ge [sflag:s20], $0x18700  }
0x1c: {  	[sflag:s20] =	ssyncset.done $0x0  }
0x1d: {  	s4 =	sshll.u32 s28, $0xB;
	s29 =	sshll.u32 s28, $0x4;
	[sflag:s20] =	ssyncadd.s32 $0xFFFE7900  }
0x1e: {  	s4 =	sand.u32 $0xC000, s4;
	s29 =	sand.u32 $0x70, s29;
	_ =	swait.ge [sflag:s21], $0x1000  }
0x1f: {  	s30 =	sor.u32 s29, s4;
	[sflag:s21] =	ssyncset.done $0x0  }
0x20: {  	p0 =	seq.s32 s28, $0x0;
	s4 =	sadd.s32 s30, s8;
	[sflag:s21] =	ssyncadd.s32 $0xFFFFF000  }
0x21: {  	[tilespmem:s22], [sflag:$0x2] =	stream.strided.gather [hbm4b:s4+s17], $0x1000, s18, s17, $0x38;
	[tilespmem:$0x1C700] =	vst v63  }
0x22: {  	s4 =	simm.s32 @!p0 $0x3  }
0x23: {  	_ =	swait.ge @!p0 [sflag:s4], $0x1000  }
0x24: {  	[sflag:s4] =	ssyncset.done @!p0 $0x0  }
0x25: {  	s31 =	simm.s32 $0x0;
	[sflag:s4] =	ssyncadd.s32 @!p0 $0xFFFFF000  }
0x26: {  	v14 =	vld [tilespmem:s31+$0x18700]  }
0x27: {  	v0 =	vld [tilespmem:s31+$0x18710]  }
0x28: {  	v1 =	vld [tilespmem:s31+$0x18720]  }
0x29: {  	v2 =	vld [tilespmem:s31+$0x18730]  }
0x2a: {  	v3 =	vld [tilespmem:s31+$0x18740]  }
0x2b: {  	v4 =	vld [tilespmem:s31+$0x18750]  }
0x2c: {  	v5 =	vld [tilespmem:s31+$0x18760]  }
0x2d: {  	v7 =	vld [tilespmem:s31+$0x18770]  }
0x2e: {  	v9 =	vld [tilespmem:s31+$0x18780]  }
0x2f: {  	v6 =	vld [tilespmem:s31+$0x18790]  }
0x30: {  	v8 =	vld [tilespmem:s31+$0x187A0]  }
0x31: {  	v10 =	vld [tilespmem:s31+$0x187B0]  }
0x32: {  	v11 =	vld [tilespmem:s31+$0x187C0]  }
0x33: {  	v12 =	vld [tilespmem:s31+$0x187D0]  }
0x34: {  	v13 =	vld [tilespmem:s31+$0x187E0]  }
0x35: {  	v15 =	vld [tilespmem:s31+$0x187F0]  }
0x36: {  	s29 =	simm.s32 $0x400;
	v14 =	vld.idx.msk [tilespmem:v14+s5+$0x0], $0xffff  }
.LBB2_3:
0x37: {  	p1 =	sne.s32 s29, $0x3C00;
	v16 =	vld.idx.msk [tilespmem:v0+s5+$0x0], $0xffff  }
0x38: {  	v17 =	vld.idx.msk [tilespmem:v1+s5+$0x0], $0xffff  }
0x39: {  	v18 =	vld.idx.msk [tilespmem:v2+s5+$0x0], $0xffff  }
0x3a: {  	v19 =	vld.idx.msk [tilespmem:v3+s5+$0x0], $0xffff  }
0x3b: {  	v20 =	vld.idx.msk [tilespmem:v4+s5+$0x0], $0xffff  }
0x3c: {  	v21 =	vld.idx.msk [tilespmem:v5+s5+$0x0], $0xffff  }
0x3d: {  	v22 =	vld.idx.msk [tilespmem:v7+s5+$0x0], $0xffff  }
0x3e: {  	v23 =	vld.idx.msk [tilespmem:v9+s5+$0x0], $0xffff  }
0x3f: {  	v0 =	vld.idx.msk [tilespmem:v15+s5+$0x0], $0xffff  }
0x40: {  	v15 =	vld.idx.msk [tilespmem:v6+s5+$0x0], $0xffff  }
0x41: {  	v24 =	vld.idx.msk [tilespmem:v8+s5+$0x0], $0xffff  }
0x42: {  	v25 =	vld.idx.msk [tilespmem:v10+s5+$0x0], $0xffff  }
0x43: {  	v26 =	vld.idx.msk [tilespmem:v11+s5+$0x0], $0xffff  }
0x44: {  	v27 =	vld.idx.msk [tilespmem:v12+s5+$0x0], $0xffff  }
0x45: {  	s4 =	sshra.s32 s29, $0x2;
	v28 =	vld.idx.msk [tilespmem:v13+s5+$0x0], $0xffff;
	[tilespmem:s31+$0x1A7F0] =	vst v0  }
0x46: {  	v29 =	vld [tilespmem:s4+$0x18700];
	[tilespmem:s31+$0x1A700] =	vst v14  }
0x47: {  	v0 =	vld [tilespmem:s4+$0x18710];
	[tilespmem:s31+$0x1A710] =	vst v16  }
0x48: {  	v1 =	vld [tilespmem:s4+$0x18720];
	[tilespmem:s31+$0x1A720] =	vst v17  }
0x49: {  	v2 =	vld [tilespmem:s4+$0x18730];
	[tilespmem:s31+$0x1A730] =	vst v18  }
0x4a: {  	v3 =	vld [tilespmem:s4+$0x18740];
	[tilespmem:s31+$0x1A740] =	vst v19  }
0x4b: {  	v4 =	vld [tilespmem:s4+$0x18750];
	[tilespmem:s31+$0x1A750] =	vst v20  }
0x4c: {  	v5 =	vld [tilespmem:s4+$0x18760];
	[tilespmem:s31+$0x1A760] =	vst v21  }
0x4d: {  	v7 =	vld [tilespmem:s4+$0x18770];
	[tilespmem:s31+$0x1A770] =	vst v22  }
0x4e: {  	v9 =	vld [tilespmem:s4+$0x18780];
	[tilespmem:s31+$0x1A780] =	vst v23  }
0x4f: {  	v6 =	vld [tilespmem:s4+$0x18790];
	[tilespmem:s31+$0x1A790] =	vst v15  }
0x50: {  	v8 =	vld [tilespmem:s4+$0x187A0];
	[tilespmem:s31+$0x1A7A0] =	vst v24  }
0x51: {  	v10 =	vld [tilespmem:s4+$0x187B0];
	[tilespmem:s31+$0x1A7B0] =	vst v25  }
.Ltmp2:
0x52: {  	v11 =	vld [tilespmem:s4+$0x187C0];
	[tilespmem:s31+$0x1A7C0] =	vst v26;
	(pc) =	sbr.rel @p1 .LBB2_3-.Ltmp2, $4  }
0x53: {  	v12 =	vld [tilespmem:s4+$0x187D0];
	[tilespmem:s31+$0x1A7D0] =	vst v27  }
0x54: {  	v13 =	vld [tilespmem:s4+$0x187E0];
	[tilespmem:s31+$0x1A7E0] =	vst v28;
	s31 =	smov.u32 s4  }
0x55: {  	v15 =	vld [tilespmem:s31+$0x187F0]  }
0x56: {  	s29 =	sadd.s32 $0x400, s29;
	v14 =	vld.idx.msk [tilespmem:v29+s5+$0x0], $0xffff  }
0x57: {  	_ =	sdelay $0x3  }
0x58: {  	v0 =	vld.idx.msk [tilespmem:v0+s5+$0x0], $0xffff  }
0x59: {  	v1 =	vld.idx.msk [tilespmem:v1+s5+$0x0], $0xffff  }
0x5a: {  	v2 =	vld.idx.msk [tilespmem:v2+s5+$0x0], $0xffff  }
0x5b: {  	v3 =	vld.idx.msk [tilespmem:v3+s5+$0x0], $0xffff  }
0x5c: {  	v4 =	vld.idx.msk [tilespmem:v4+s5+$0x0], $0xffff  }
0x5d: {  	v5 =	vld.idx.msk [tilespmem:v5+s5+$0x0], $0xffff  }
0x5e: {  	v7 =	vld.idx.msk [tilespmem:v7+s5+$0x0], $0xffff  }
0x5f: {  	v9 =	vld.idx.msk [tilespmem:v9+s5+$0x0], $0xffff  }
0x60: {  	v6 =	vld.idx.msk [tilespmem:v6+s5+$0x0], $0xffff  }
0x61: {  	v8 =	vld.idx.msk [tilespmem:v8+s5+$0x0], $0xffff  }
0x62: {  	v10 =	vld.idx.msk [tilespmem:v10+s5+$0x0], $0xffff  }
0x63: {  	v11 =	vld.idx.msk [tilespmem:v11+s5+$0x0], $0xffff  }
0x64: {  	v12 =	vld.idx.msk [tilespmem:v12+s5+$0x0], $0xffff  }
0x65: {  	v13 =	vld.idx.msk [tilespmem:v13+s5+$0x0], $0xffff  }
0x66: {  	v15 =	vld.idx.msk [tilespmem:v15+s5+$0x0], $0xffff;
	[tilespmem:s31+$0x1A700] =	vst v14  }
0x67: {  	[tilespmem:s31+$0x1A710] =	vst v0  }
0x68: {  	[tilespmem:s31+$0x1A720] =	vst v1  }
0x69: {  	[tilespmem:s31+$0x1A730] =	vst v2  }
0x6a: {  	[tilespmem:s31+$0x1A740] =	vst v3  }
0x6b: {  	[tilespmem:s31+$0x1A750] =	vst v4  }
0x6c: {  	[tilespmem:s31+$0x1A760] =	vst v5  }
0x6d: {  	[tilespmem:s31+$0x1A770] =	vst v7  }
0x6e: {  	[tilespmem:s31+$0x1A780] =	vst v9  }
0x6f: {  	[tilespmem:s31+$0x1A790] =	vst v6  }
0x70: {  	[tilespmem:s31+$0x1A7A0] =	vst v8  }
0x71: {  	s4 =	sshll.u32 s28, $0x13;
	[tilespmem:s31+$0x1A7B0] =	vst v10  }
0x72: {  	s4 =	sor.u32 s4, s9;
	[tilespmem:s31+$0x1A7C0] =	vst v11  }
0x73: {  	s4 =	sor.u32 s6, s4;
	[tilespmem:s31+$0x1A7D0] =	vst v12  }
0x74: {  	s29 =	sshrl.u32 s4, $0x3;
	[tilespmem:s31+$0x1A7E0] =	vst v13  }
0x75: {  	s4 =	sadd.s32 s3, s29;
	[tilespmem:s31+$0x1A7F0] =	vst v15  }
0x76: {  	[hbm4b:s4+s17] =	stream.strided.scatter [tilespmem:s23], [sflag:$0x3], $0x1000, s18, s17, $0x38;
	[tilespmem:$0x1C700] =	vst v63  }
0x77: {  	_ =	swait.ge [sflag:s21], $0x1000  }
0x78: {  	[sflag:s21] =	ssyncset.done $0x0  }
0x79: {  	s0 =	sadd.s32 s30, s10;
	s4 =	simm.s32 @!p0 $0x3;
	[sflag:s21] =	ssyncadd.s32 $0xFFFFF000  }
0x7a: {  	[tilespmem:s19], [sflag:$0x2] =	stream.strided.gather [hbm4b:s0+s17], $0x1000, s18, s17, $0x38;
	[tilespmem:$0x1C700] =	vst v63  }
0x7b: {  	_ =	swait.ge @!p0 [sflag:s4], $0x1000  }
0x7c: {  	[sflag:s4] =	ssyncset.done @!p0 $0x0  }
0x7d: {  	s31 =	simm.s32 $0x0;
	[sflag:s4] =	ssyncadd.s32 @!p0 $0xFFFFF000  }
0x7e: {  	v14 =	vld [tilespmem:s31+$0x19700]  }
0x7f: {  	v0 =	vld [tilespmem:s31+$0x19710]  }
0x80: {  	v1 =	vld [tilespmem:s31+$0x19720]  }
0x81: {  	v2 =	vld [tilespmem:s31+$0x19730]  }
0x82: {  	v3 =	vld [tilespmem:s31+$0x19740]  }
0x83: {  	v4 =	vld [tilespmem:s31+$0x19750]  }
0x84: {  	v5 =	vld [tilespmem:s31+$0x19760]  }
0x85: {  	v7 =	vld [tilespmem:s31+$0x19770]  }
0x86: {  	v9 =	vld [tilespmem:s31+$0x19780]  }
0x87: {  	v6 =	vld [tilespmem:s31+$0x19790]  }
0x88: {  	v8 =	vld [tilespmem:s31+$0x197A0]  }
0x89: {  	v10 =	vld [tilespmem:s31+$0x197B0]  }
0x8a: {  	v11 =	vld [tilespmem:s31+$0x197C0]  }
0x8b: {  	v12 =	vld [tilespmem:s31+$0x197D0]  }
0x8c: {  	v13 =	vld [tilespmem:s31+$0x197E0]  }
0x8d: {  	v15 =	vld [tilespmem:s31+$0x197F0]  }
0x8e: {  	s4 =	simm.s32 $0x400;
	v14 =	vld.idx.msk [tilespmem:v14+s5+$0x0], $0xffff  }
.LBB2_5:
0x8f: {  	p0 =	sne.s32 s4, $0x3C00;
	v16 =	vld.idx.msk [tilespmem:v0+s5+$0x0], $0xffff  }
0x90: {  	v17 =	vld.idx.msk [tilespmem:v1+s5+$0x0], $0xffff  }
0x91: {  	v18 =	vld.idx.msk [tilespmem:v2+s5+$0x0], $0xffff  }
0x92: {  	v19 =	vld.idx.msk [tilespmem:v3+s5+$0x0], $0xffff  }
0x93: {  	v20 =	vld.idx.msk [tilespmem:v4+s5+$0x0], $0xffff  }
0x94: {  	v21 =	vld.idx.msk [tilespmem:v5+s5+$0x0], $0xffff  }
0x95: {  	v22 =	vld.idx.msk [tilespmem:v7+s5+$0x0], $0xffff  }
0x96: {  	v23 =	vld.idx.msk [tilespmem:v9+s5+$0x0], $0xffff  }
0x97: {  	v0 =	vld.idx.msk [tilespmem:v15+s5+$0x0], $0xffff  }
0x98: {  	v15 =	vld.idx.msk [tilespmem:v6+s5+$0x0], $0xffff  }
0x99: {  	v24 =	vld.idx.msk [tilespmem:v8+s5+$0x0], $0xffff  }
0x9a: {  	v25 =	vld.idx.msk [tilespmem:v10+s5+$0x0], $0xffff  }
0x9b: {  	v26 =	vld.idx.msk [tilespmem:v11+s5+$0x0], $0xffff  }
0x9c: {  	v27 =	vld.idx.msk [tilespmem:v12+s5+$0x0], $0xffff  }
0x9d: {  	s0 =	sshra.s32 s4, $0x2;
	v28 =	vld.idx.msk [tilespmem:v13+s5+$0x0], $0xffff;
	[tilespmem:s31+$0x1B7F0] =	vst v0  }
0x9e: {  	v29 =	vld [tilespmem:s0+$0x19700];
	[tilespmem:s31+$0x1B700] =	vst v14  }
0x9f: {  	v0 =	vld [tilespmem:s0+$0x19710];
	[tilespmem:s31+$0x1B710] =	vst v16  }
0xa0: {  	v1 =	vld [tilespmem:s0+$0x19720];
	[tilespmem:s31+$0x1B720] =	vst v17  }
0xa1: {  	v2 =	vld [tilespmem:s0+$0x19730];
	[tilespmem:s31+$0x1B730] =	vst v18  }
0xa2: {  	v3 =	vld [tilespmem:s0+$0x19740];
	[tilespmem:s31+$0x1B740] =	vst v19  }
0xa3: {  	v4 =	vld [tilespmem:s0+$0x19750];
	[tilespmem:s31+$0x1B750] =	vst v20  }
0xa4: {  	v5 =	vld [tilespmem:s0+$0x19760];
	[tilespmem:s31+$0x1B760] =	vst v21  }
0xa5: {  	v7 =	vld [tilespmem:s0+$0x19770];
	[tilespmem:s31+$0x1B770] =	vst v22  }
0xa6: {  	v9 =	vld [tilespmem:s0+$0x19780];
	[tilespmem:s31+$0x1B780] =	vst v23  }
0xa7: {  	v6 =	vld [tilespmem:s0+$0x19790];
	[tilespmem:s31+$0x1B790] =	vst v15  }
0xa8: {  	v8 =	vld [tilespmem:s0+$0x197A0];
	[tilespmem:s31+$0x1B7A0] =	vst v24  }
0xa9: {  	v10 =	vld [tilespmem:s0+$0x197B0];
	[tilespmem:s31+$0x1B7B0] =	vst v25  }
.Ltmp3:
0xaa: {  	v11 =	vld [tilespmem:s0+$0x197C0];
	[tilespmem:s31+$0x1B7C0] =	vst v26;
	(pc) =	sbr.rel @p0 .LBB2_5-.Ltmp3, $4  }
0xab: {  	v12 =	vld [tilespmem:s0+$0x197D0];
	[tilespmem:s31+$0x1B7D0] =	vst v27  }
0xac: {  	v13 =	vld [tilespmem:s0+$0x197E0];
	[tilespmem:s31+$0x1B7E0] =	vst v28;
	s31 =	smov.u32 s0  }
0xad: {  	v15 =	vld [tilespmem:s31+$0x197F0]  }
0xae: {  	s4 =	sadd.s32 $0x400, s4;
	v14 =	vld.idx.msk [tilespmem:v29+s5+$0x0], $0xffff  }
0xaf: {  	_ =	sdelay $0x3  }
0xb0: {  	v0 =	vld.idx.msk [tilespmem:v0+s5+$0x0], $0xffff  }
0xb1: {  	v1 =	vld.idx.msk [tilespmem:v1+s5+$0x0], $0xffff  }
0xb2: {  	v2 =	vld.idx.msk [tilespmem:v2+s5+$0x0], $0xffff  }
0xb3: {  	v3 =	vld.idx.msk [tilespmem:v3+s5+$0x0], $0xffff  }
0xb4: {  	v4 =	vld.idx.msk [tilespmem:v4+s5+$0x0], $0xffff  }
0xb5: {  	v5 =	vld.idx.msk [tilespmem:v5+s5+$0x0], $0xffff  }
0xb6: {  	v7 =	vld.idx.msk [tilespmem:v7+s5+$0x0], $0xffff  }
0xb7: {  	v9 =	vld.idx.msk [tilespmem:v9+s5+$0x0], $0xffff  }
0xb8: {  	v6 =	vld.idx.msk [tilespmem:v6+s5+$0x0], $0xffff  }
0xb9: {  	v8 =	vld.idx.msk [tilespmem:v8+s5+$0x0], $0xffff  }
0xba: {  	v10 =	vld.idx.msk [tilespmem:v10+s5+$0x0], $0xffff  }
0xbb: {  	v11 =	vld.idx.msk [tilespmem:v11+s5+$0x0], $0xffff  }
0xbc: {  	v12 =	vld.idx.msk [tilespmem:v12+s5+$0x0], $0xffff  }
0xbd: {  	v13 =	vld.idx.msk [tilespmem:v13+s5+$0x0], $0xffff  }
0xbe: {  	v15 =	vld.idx.msk [tilespmem:v15+s5+$0x0], $0xffff;
	[tilespmem:s31+$0x1B700] =	vst v14  }
0xbf: {  	[tilespmem:s31+$0x1B710] =	vst v0  }
0xc0: {  	[tilespmem:s31+$0x1B720] =	vst v1  }
0xc1: {  	[tilespmem:s31+$0x1B730] =	vst v2  }
0xc2: {  	[tilespmem:s31+$0x1B740] =	vst v3  }
0xc3: {  	[tilespmem:s31+$0x1B750] =	vst v4  }
0xc4: {  	[tilespmem:s31+$0x1B760] =	vst v5  }
0xc5: {  	[tilespmem:s31+$0x1B770] =	vst v7  }
0xc6: {  	[tilespmem:s31+$0x1B780] =	vst v9  }
0xc7: {  	[tilespmem:s31+$0x1B790] =	vst v6  }
0xc8: {  	[tilespmem:s31+$0x1B7A0] =	vst v8  }
0xc9: {  	[tilespmem:s31+$0x1B7B0] =	vst v10  }
0xca: {  	[tilespmem:s31+$0x1B7C0] =	vst v11  }
0xcb: {  	[tilespmem:s31+$0x1B7D0] =	vst v12  }
0xcc: {  	[tilespmem:s31+$0x1B7E0] =	vst v13  }
0xcd: {  	s0 =	sadd.s32 s29, s11;
	[tilespmem:s31+$0x1B7F0] =	vst v15  }
0xce: {  	[hbm4b:s0+s17] =	stream.strided.scatter [tilespmem:s24], [sflag:$0x3], $0x1000, s18, s17, $0x38;
	[tilespmem:$0x1C700] =	vst v63  }
0xcf: {  	_ =	swait.ge [sflag:s21], $0x1000  }
0xd0: {  	[sflag:s21] =	ssyncset.done $0x0  }
0xd1: {  	s31 =	sadd.s32 s30, s12;
	[sflag:s21] =	ssyncadd.s32 $0xFFFFF000  }
0xd2: {  	[tilespmem:s22], [sflag:$0x2] =	stream.strided.gather [hbm4b:s31+s17], $0x1000, s18, s17, $0x38;
	[tilespmem:$0x1C700] =	vst v63  }
0xd3: {  	_ =	swait.ge [sflag:s25], $0x1000  }
0xd4: {  	[sflag:s25] =	ssyncset.done $0x0  }
0xd5: {  	s30 =	simm.s32 $0x0;
	[sflag:s25] =	ssyncadd.s32 $0xFFFFF000  }
0xd6: {  	v14 =	vld [tilespmem:s30+$0x18700]  }
0xd7: {  	v0 =	vld [tilespmem:s30+$0x18710]  }
0xd8: {  	v1 =	vld [tilespmem:s30+$0x18720]  }
0xd9: {  	v2 =	vld [tilespmem:s30+$0x18730]  }
0xda: {  	v3 =	vld [tilespmem:s30+$0x18740]  }
0xdb: {  	v4 =	vld [tilespmem:s30+$0x18750]  }
0xdc: {  	v5 =	vld [tilespmem:s30+$0x18760]  }
0xdd: {  	v7 =	vld [tilespmem:s30+$0x18770]  }
0xde: {  	v9 =	vld [tilespmem:s30+$0x18780]  }
0xdf: {  	v6 =	vld [tilespmem:s30+$0x18790]  }
0xe0: {  	v8 =	vld [tilespmem:s30+$0x187A0]  }
0xe1: {  	v10 =	vld [tilespmem:s30+$0x187B0]  }
0xe2: {  	v11 =	vld [tilespmem:s30+$0x187C0]  }
0xe3: {  	v12 =	vld [tilespmem:s30+$0x187D0]  }
0xe4: {  	v13 =	vld [tilespmem:s30+$0x187E0]  }
0xe5: {  	v15 =	vld [tilespmem:s30+$0x187F0]  }
0xe6: {  	s4 =	simm.s32 $0x400;
	v14 =	vld.idx.msk [tilespmem:v14+s5+$0x0], $0xffff  }
.LBB2_7:
0xe7: {  	p0 =	sne.s32 s4, $0x3C00;
	v16 =	vld.idx.msk [tilespmem:v0+s5+$0x0], $0xffff  }
0xe8: {  	v17 =	vld.idx.msk [tilespmem:v1+s5+$0x0], $0xffff  }
0xe9: {  	v18 =	vld.idx.msk [tilespmem:v2+s5+$0x0], $0xffff  }
0xea: {  	v19 =	vld.idx.msk [tilespmem:v3+s5+$0x0], $0xffff  }
0xeb: {  	v20 =	vld.idx.msk [tilespmem:v4+s5+$0x0], $0xffff  }
0xec: {  	v21 =	vld.idx.msk [tilespmem:v5+s5+$0x0], $0xffff  }
0xed: {  	v22 =	vld.idx.msk [tilespmem:v7+s5+$0x0], $0xffff  }
0xee: {  	v23 =	vld.idx.msk [tilespmem:v9+s5+$0x0], $0xffff  }
0xef: {  	v0 =	vld.idx.msk [tilespmem:v15+s5+$0x0], $0xffff  }
0xf0: {  	v15 =	vld.idx.msk [tilespmem:v6+s5+$0x0], $0xffff  }
0xf1: {  	v24 =	vld.idx.msk [tilespmem:v8+s5+$0x0], $0xffff  }
0xf2: {  	v25 =	vld.idx.msk [tilespmem:v10+s5+$0x0], $0xffff  }
0xf3: {  	v26 =	vld.idx.msk [tilespmem:v11+s5+$0x0], $0xffff  }
0xf4: {  	v27 =	vld.idx.msk [tilespmem:v12+s5+$0x0], $0xffff  }
0xf5: {  	s0 =	sshra.s32 s4, $0x2;
	v28 =	vld.idx.msk [tilespmem:v13+s5+$0x0], $0xffff;
	[tilespmem:s30+$0x1A7F0] =	vst v0  }
0xf6: {  	v29 =	vld [tilespmem:s0+$0x18700];
	[tilespmem:s30+$0x1A700] =	vst v14  }
0xf7: {  	v0 =	vld [tilespmem:s0+$0x18710];
	[tilespmem:s30+$0x1A710] =	vst v16  }
0xf8: {  	v1 =	vld [tilespmem:s0+$0x18720];
	[tilespmem:s30+$0x1A720] =	vst v17  }
0xf9: {  	v2 =	vld [tilespmem:s0+$0x18730];
	[tilespmem:s30+$0x1A730] =	vst v18  }
0xfa: {  	v3 =	vld [tilespmem:s0+$0x18740];
	[tilespmem:s30+$0x1A740] =	vst v19  }
0xfb: {  	v4 =	vld [tilespmem:s0+$0x18750];
	[tilespmem:s30+$0x1A750] =	vst v20  }
0xfc: {  	v5 =	vld [tilespmem:s0+$0x18760];
	[tilespmem:s30+$0x1A760] =	vst v21  }
0xfd: {  	v7 =	vld [tilespmem:s0+$0x18770];
	[tilespmem:s30+$0x1A770] =	vst v22  }
0xfe: {  	v9 =	vld [tilespmem:s0+$0x18780];
	[tilespmem:s30+$0x1A780] =	vst v23  }
0xff: {  	v6 =	vld [tilespmem:s0+$0x18790];
	[tilespmem:s30+$0x1A790] =	vst v15  }
0x100: {  	v8 =	vld [tilespmem:s0+$0x187A0];
	[tilespmem:s30+$0x1A7A0] =	vst v24  }
0x101: {  	v10 =	vld [tilespmem:s0+$0x187B0];
	[tilespmem:s30+$0x1A7B0] =	vst v25  }
.Ltmp4:
0x102: {  	v11 =	vld [tilespmem:s0+$0x187C0];
	[tilespmem:s30+$0x1A7C0] =	vst v26;
	(pc) =	sbr.rel @p0 .LBB2_7-.Ltmp4, $4  }
0x103: {  	v12 =	vld [tilespmem:s0+$0x187D0];
	[tilespmem:s30+$0x1A7D0] =	vst v27  }
0x104: {  	v13 =	vld [tilespmem:s0+$0x187E0];
	[tilespmem:s30+$0x1A7E0] =	vst v28;
	s30 =	smov.u32 s0  }
0x105: {  	v15 =	vld [tilespmem:s30+$0x187F0]  }
0x106: {  	s4 =	sadd.s32 $0x400, s4;
	v14 =	vld.idx.msk [tilespmem:v29+s5+$0x0], $0xffff  }
0x107: {  	_ =	sdelay $0x3  }
0x108: {  	v0 =	vld.idx.msk [tilespmem:v0+s5+$0x0], $0xffff  }
0x109: {  	v1 =	vld.idx.msk [tilespmem:v1+s5+$0x0], $0xffff  }
0x10a: {  	v2 =	vld.idx.msk [tilespmem:v2+s5+$0x0], $0xffff  }
0x10b: {  	v3 =	vld.idx.msk [tilespmem:v3+s5+$0x0], $0xffff  }
0x10c: {  	v4 =	vld.idx.msk [tilespmem:v4+s5+$0x0], $0xffff  }
0x10d: {  	v5 =	vld.idx.msk [tilespmem:v5+s5+$0x0], $0xffff  }
0x10e: {  	v7 =	vld.idx.msk [tilespmem:v7+s5+$0x0], $0xffff  }
0x10f: {  	v9 =	vld.idx.msk [tilespmem:v9+s5+$0x0], $0xffff  }
0x110: {  	v6 =	vld.idx.msk [tilespmem:v6+s5+$0x0], $0xffff  }
0x111: {  	v8 =	vld.idx.msk [tilespmem:v8+s5+$0x0], $0xffff  }
0x112: {  	v10 =	vld.idx.msk [tilespmem:v10+s5+$0x0], $0xffff  }
0x113: {  	v11 =	vld.idx.msk [tilespmem:v11+s5+$0x0], $0xffff  }
0x114: {  	v12 =	vld.idx.msk [tilespmem:v12+s5+$0x0], $0xffff  }
0x115: {  	v13 =	vld.idx.msk [tilespmem:v13+s5+$0x0], $0xffff  }
0x116: {  	v15 =	vld.idx.msk [tilespmem:v15+s5+$0x0], $0xffff;
	[tilespmem:s30+$0x1A700] =	vst v14  }
0x117: {  	[tilespmem:s30+$0x1A710] =	vst v0  }
0x118: {  	[tilespmem:s30+$0x1A720] =	vst v1  }
0x119: {  	[tilespmem:s30+$0x1A730] =	vst v2  }
0x11a: {  	[tilespmem:s30+$0x1A740] =	vst v3  }
0x11b: {  	[tilespmem:s30+$0x1A750] =	vst v4  }
0x11c: {  	[tilespmem:s30+$0x1A760] =	vst v5  }
0x11d: {  	[tilespmem:s30+$0x1A770] =	vst v7  }
0x11e: {  	[tilespmem:s30+$0x1A780] =	vst v9  }
0x11f: {  	[tilespmem:s30+$0x1A790] =	vst v6  }
0x120: {  	[tilespmem:s30+$0x1A7A0] =	vst v8  }
0x121: {  	[tilespmem:s30+$0x1A7B0] =	vst v10  }
0x122: {  	[tilespmem:s30+$0x1A7C0] =	vst v11  }
0x123: {  	[tilespmem:s30+$0x1A7D0] =	vst v12  }
0x124: {  	[tilespmem:s30+$0x1A7E0] =	vst v13  }
0x125: {  	s0 =	sadd.s32 s29, s13;
	p0 =	seq.s32 s28, $0x19;
	[tilespmem:s30+$0x1A7F0] =	vst v15  }
0x126: {  	[hbm4b:s0+s17] =	stream.strided.scatter [tilespmem:s23], [sflag:$0x3], $0x1000, s18, s17, $0x38;
	[tilespmem:$0x1C700] =	vst v63  }
0x127: {  	s0 =	sadd.s32 @!p0 $0x1, s28  }
0x128: {  	s31 =	simm.s32 @!p0 $0x18700;
	s30 =	simm.s32 @!p0 $0x400;
	s4 =	sshll.u32 @!p0 s0, $0x4  }
0x129: {  	_ =	swait.ge [sflag:s21], $0x1000;
	s0 =	sshll.u32 @!p0 s0, $0xB;
	s4 =	sand.u32 @!p0 $0x70, s4  }
0x12a: {  	[sflag:s21] =	ssyncset.done $0x0;
	s0 =	sand.u32 @!p0 $0x1C000, s0;
	s4 =	sadd.s32 @!p0 s1, s4  }
0x12b: {  	[sflag:s21] =	ssyncadd.s32 $0xFFFFF000;
	s0 =	sadd.s32 @!p0 s0, s4;
	s4 =	simm.s32 @!p0 $0x80  }
0x12c: {  	[tilespmem:s31], [sflag:$0x2] =	stream.strided.gather @!p0 [hbm4b:s0+s4], $0x1000, s30, s4, $0x38;
	[tilespmem:$0x1C700] =	vst v63  }
0x12d: {  	_ =	swait.ge [sflag:s25], $0x1000  }
0x12e: {  	[sflag:s25] =	ssyncset.done $0x0  }
0x12f: {  	s30 =	simm.s32 $0x0;
	[sflag:s25] =	ssyncadd.s32 $0xFFFFF000  }
0x130: {  	v14 =	vld [tilespmem:s30+$0x19700]  }
0x131: {  	v0 =	vld [tilespmem:s30+$0x19710]  }
0x132: {  	v1 =	vld [tilespmem:s30+$0x19720]  }
0x133: {  	v2 =	vld [tilespmem:s30+$0x19730]  }
0x134: {  	v3 =	vld [tilespmem:s30+$0x19740]  }
0x135: {  	v4 =	vld [tilespmem:s30+$0x19750]  }
0x136: {  	v5 =	vld [tilespmem:s30+$0x19760]  }
0x137: {  	v7 =	vld [tilespmem:s30+$0x19770]  }
0x138: {  	v9 =	vld [tilespmem:s30+$0x19780]  }
0x139: {  	v6 =	vld [tilespmem:s30+$0x19790]  }
0x13a: {  	v8 =	vld [tilespmem:s30+$0x197A0]  }
0x13b: {  	v10 =	vld [tilespmem:s30+$0x197B0]  }
0x13c: {  	v11 =	vld [tilespmem:s30+$0x197C0]  }
0x13d: {  	v12 =	vld [tilespmem:s30+$0x197D0]  }
0x13e: {  	v13 =	vld [tilespmem:s30+$0x197E0]  }
0x13f: {  	v15 =	vld [tilespmem:s30+$0x197F0]  }
0x140: {  	s4 =	simm.s32 $0x400;
	v14 =	vld.idx.msk [tilespmem:v14+s5+$0x0], $0xffff  }
.LBB2_9:
0x141: {  	p1 =	sne.s32 s4, $0x3C00;
	v16 =	vld.idx.msk [tilespmem:v0+s5+$0x0], $0xffff  }
0x142: {  	v17 =	vld.idx.msk [tilespmem:v1+s5+$0x0], $0xffff  }
0x143: {  	v18 =	vld.idx.msk [tilespmem:v2+s5+$0x0], $0xffff  }
0x144: {  	v19 =	vld.idx.msk [tilespmem:v3+s5+$0x0], $0xffff  }
0x145: {  	v20 =	vld.idx.msk [tilespmem:v4+s5+$0x0], $0xffff  }
0x146: {  	v21 =	vld.idx.msk [tilespmem:v5+s5+$0x0], $0xffff  }
0x147: {  	v22 =	vld.idx.msk [tilespmem:v7+s5+$0x0], $0xffff  }
0x148: {  	v23 =	vld.idx.msk [tilespmem:v9+s5+$0x0], $0xffff  }
0x149: {  	v0 =	vld.idx.msk [tilespmem:v15+s5+$0x0], $0xffff  }
0x14a: {  	v15 =	vld.idx.msk [tilespmem:v6+s5+$0x0], $0xffff  }
0x14b: {  	v24 =	vld.idx.msk [tilespmem:v8+s5+$0x0], $0xffff  }
0x14c: {  	v25 =	vld.idx.msk [tilespmem:v10+s5+$0x0], $0xffff  }
0x14d: {  	v26 =	vld.idx.msk [tilespmem:v11+s5+$0x0], $0xffff  }
0x14e: {  	v27 =	vld.idx.msk [tilespmem:v12+s5+$0x0], $0xffff  }
0x14f: {  	s0 =	sshra.s32 s4, $0x2;
	v28 =	vld.idx.msk [tilespmem:v13+s5+$0x0], $0xffff;
	[tilespmem:s30+$0x1B7F0] =	vst v0  }
0x150: {  	v29 =	vld [tilespmem:s0+$0x19700];
	[tilespmem:s30+$0x1B700] =	vst v14  }
0x151: {  	v0 =	vld [tilespmem:s0+$0x19710];
	[tilespmem:s30+$0x1B710] =	vst v16  }
0x152: {  	v1 =	vld [tilespmem:s0+$0x19720];
	[tilespmem:s30+$0x1B720] =	vst v17  }
0x153: {  	v2 =	vld [tilespmem:s0+$0x19730];
	[tilespmem:s30+$0x1B730] =	vst v18  }
0x154: {  	v3 =	vld [tilespmem:s0+$0x19740];
	[tilespmem:s30+$0x1B740] =	vst v19  }
0x155: {  	v4 =	vld [tilespmem:s0+$0x19750];
	[tilespmem:s30+$0x1B750] =	vst v20  }
0x156: {  	v5 =	vld [tilespmem:s0+$0x19760];
	[tilespmem:s30+$0x1B760] =	vst v21  }
0x157: {  	v7 =	vld [tilespmem:s0+$0x19770];
	[tilespmem:s30+$0x1B770] =	vst v22  }
0x158: {  	v9 =	vld [tilespmem:s0+$0x19780];
	[tilespmem:s30+$0x1B780] =	vst v23  }
0x159: {  	v6 =	vld [tilespmem:s0+$0x19790];
	[tilespmem:s30+$0x1B790] =	vst v15  }
0x15a: {  	v8 =	vld [tilespmem:s0+$0x197A0];
	[tilespmem:s30+$0x1B7A0] =	vst v24  }
0x15b: {  	v10 =	vld [tilespmem:s0+$0x197B0];
	[tilespmem:s30+$0x1B7B0] =	vst v25  }
.Ltmp5:
0x15c: {  	v11 =	vld [tilespmem:s0+$0x197C0];
	[tilespmem:s30+$0x1B7C0] =	vst v26;
	(pc) =	sbr.rel @p1 .LBB2_9-.Ltmp5, $4  }
0x15d: {  	v12 =	vld [tilespmem:s0+$0x197D0];
	[tilespmem:s30+$0x1B7D0] =	vst v27  }
0x15e: {  	v13 =	vld [tilespmem:s0+$0x197E0];
	[tilespmem:s30+$0x1B7E0] =	vst v28;
	s30 =	smov.u32 s0  }
0x15f: {  	v15 =	vld [tilespmem:s30+$0x197F0]  }
0x160: {  	s4 =	sadd.s32 $0x400, s4;
	v14 =	vld.idx.msk [tilespmem:v29+s5+$0x0], $0xffff  }
0x161: {  	_ =	sdelay $0x3  }
0x162: {  	v0 =	vld.idx.msk [tilespmem:v0+s5+$0x0], $0xffff  }
0x163: {  	v1 =	vld.idx.msk [tilespmem:v1+s5+$0x0], $0xffff  }
0x164: {  	v2 =	vld.idx.msk [tilespmem:v2+s5+$0x0], $0xffff  }
0x165: {  	v3 =	vld.idx.msk [tilespmem:v3+s5+$0x0], $0xffff  }
0x166: {  	v4 =	vld.idx.msk [tilespmem:v4+s5+$0x0], $0xffff  }
0x167: {  	v5 =	vld.idx.msk [tilespmem:v5+s5+$0x0], $0xffff  }
0x168: {  	v7 =	vld.idx.msk [tilespmem:v7+s5+$0x0], $0xffff  }
0x169: {  	v9 =	vld.idx.msk [tilespmem:v9+s5+$0x0], $0xffff  }
0x16a: {  	v6 =	vld.idx.msk [tilespmem:v6+s5+$0x0], $0xffff  }
0x16b: {  	v8 =	vld.idx.msk [tilespmem:v8+s5+$0x0], $0xffff  }
0x16c: {  	v10 =	vld.idx.msk [tilespmem:v10+s5+$0x0], $0xffff  }
0x16d: {  	v11 =	vld.idx.msk [tilespmem:v11+s5+$0x0], $0xffff  }
0x16e: {  	v12 =	vld.idx.msk [tilespmem:v12+s5+$0x0], $0xffff  }
0x16f: {  	v13 =	vld.idx.msk [tilespmem:v13+s5+$0x0], $0xffff  }
0x170: {  	v15 =	vld.idx.msk [tilespmem:v15+s5+$0x0], $0xffff;
	[tilespmem:s30+$0x1B700] =	vst v14  }
0x171: {  	[tilespmem:s30+$0x1B710] =	vst v0  }
0x172: {  	[tilespmem:s30+$0x1B720] =	vst v1  }
0x173: {  	[tilespmem:s30+$0x1B730] =	vst v2  }
0x174: {  	[tilespmem:s30+$0x1B740] =	vst v3  }
0x175: {  	[tilespmem:s30+$0x1B750] =	vst v4  }
0x176: {  	[tilespmem:s30+$0x1B760] =	vst v5  }
0x177: {  	[tilespmem:s30+$0x1B770] =	vst v7  }
0x178: {  	[tilespmem:s30+$0x1B780] =	vst v9  }
0x179: {  	[tilespmem:s30+$0x1B790] =	vst v6  }
0x17a: {  	[tilespmem:s30+$0x1B7A0] =	vst v8  }
0x17b: {  	[tilespmem:s30+$0x1B7B0] =	vst v10  }
.Ltmp6:
0x17c: {  	[tilespmem:s30+$0x1B7C0] =	vst v11;
	(pc) =	sbr.rel @p0 .LBB2_12-.Ltmp6, $4  }
0x17d: {  	[tilespmem:s30+$0x1B7D0] =	vst v12  }
0x17e: {  	[tilespmem:s30+$0x1B7E0] =	vst v13  }
0x17f: {  	s0 =	sadd.s32 s29, s14;
	[tilespmem:s30+$0x1B7F0] =	vst v15  }
0x180: {  	[hbm4b:s0+s17] =	stream.strided.scatter [tilespmem:s24], [sflag:$0x3], $0x1000, s18, s17, $0x38;
	[tilespmem:$0x1C700] =	vst v63  }
0x181: {  	s0 =	smul.u32 $0x30E000, s28  }
.Ltmp7:
0x182: {  	_ = 	snop;
	(pc) =	sbr.rel .LBB2_2-.Ltmp7, $4  }
0x183: {  	s0 =	sadd.s32 s0, s15  }
0x184: {  	s0 =	sshrl.u32 s0, $0x3  }
0x185: {  	s28 =	sadd.s32 $0x1, s28;
	s0 =	sadd.s32 s2, s0  }
0x186: {  	[tilespmem:s5], [sflag:$0x1] =	stream.strided.gather [hbm4b:s0+s17], $0x18700, s18, s17, $0x38;
	[tilespmem:$0x1C700] =	vst v63  }
.LBB2_13:
0x187: {  	_ =	sfence.sel $0x180000  }
0x188: {  	[bflag:$0x0] =	sbarrier.arrive $0xFFFF  }
0x189: {  	_ =	strace $0x90000047  }
0x18a: {  	s0 =	stileid.u32;
	[bflag:$0x2] =	sbarrier.arrive $0xFFFF  }
0x18b: {  	p0 =	sne.s32 s0, $0x0;
	s0 =	rddreg [dreg:$0x3]  }
0x18c: {  	s0 =	sadd.s32 @!p0 $0x100000, s0  }
0x18d: {  	[sflag:s0] =	ssyncadd.tile.s32 @!p0 $0x1;
	_ =	shalt  }
.Lfunc_end2:
_tile_overlayer_lowered:
.L_overlay_start_2:
0x18e: {  	(tag) =	ssettag $0x2  }
0x18f: {  	s0 =	rddreg [dreg:$0x0];
	s2 =	stileid.u32  }
0x190: {  	s1 =	rddreg [dreg:$0x1];
	p0 =	sne.s32 s2, $0x0  }
0x191: {  	s3 =	rddreg [dreg:$0x2];
	[bflag:$0x3] =	sbarrier.arrive $0xFFFF;
	s2 =	simm.s32 @!p0 $0x1C04  }
0x192: {  	[timem:s3], [sflag:s2] =	dma.local @!p0 [hbm:s0], s1  }
0x193: {  	s0 =	simm.s32 @!p0 $0x4  }
0x194: {  	_ =	swait.ge @!p0 [sflag:s0], s1  }
0x195: {  	s1 =	ssub.s32 @!p0 $0x0, s1;
	[sflag:s0] =	ssyncset.done @!p0 $0x0  }
0x196: {  	[sflag:s0] =	ssyncadd.s32 @!p0 s1  }
0x197: {  	[bflag:$0x3] =	sbarrier.arrive $0xFFFF  }
0x198: {  	_ =	shalt  }

</sc_bundles>
